<compile_context>
chip_gen: v7x
topology: tpu7x:2x2x1
jax: 0.10.2.dev20260603
libtpu: 0.0.44.dev20260713+nightly
codegen_flags: <defaults>
</compile_context>

<pallas_src>
import functools

import jax
import jax.numpy as jnp
import numpy as np
from jax import lax
from jax.experimental import pallas as pl
from jax.experimental.pallas import tpu as pltpu
from jax.experimental.pallas import tpu_sc as plsc

N_NODES = 10000
NC, NS = 2, 16
NW = NC * NS
GROUP = 128
GROUPS_PER_TILE = 80
EDGES_PAD = NW * GROUPS_PER_TILE * GROUP
ACC_ROWS = 10112
ROWS_PER_TILE = ACC_ROWS // NS
W1Q = 80
W2Q = 48
SCALE = 64.0
INV_SCALE = 1.0 / SCALE

REAL_GROUPS = 320000 // GROUP
LAST_REAL = REAL_GROUPS - 31 * GROUPS_PER_TILE
PAD_GROUPS = GROUPS_PER_TILE - LAST_REAL

_PAD_IOTA = np.arange(PAD_GROUPS * GROUP, dtype=np.int32)
_PAD_EDGES = np.stack([
    _PAD_IOTA % N_NODES,
    N_NODES + _PAD_IOTA % (ACC_ROWS - N_NODES),
]).reshape(2, PAD_GROUPS, GROUP)



def _sc_segment_sum(feat_w):
    mesh = plsc.VectorSubcoreMesh(core_axis_name="c", subcore_axis_name="s",
                                  num_cores=NC, num_subcores=NS)
    out_type = jax.ShapeDtypeStruct((NC, ACC_ROWS, feat_w), jnp.int16)
    scratch = [
        pltpu.VMEM((GROUPS_PER_TILE, GROUP), jnp.int32),
        pltpu.VMEM((GROUPS_PER_TILE, GROUP), jnp.int32),
        [pltpu.VMEM((GROUP, feat_w), jnp.int16) for _ in range(4)],
        pltpu.VMEM_SHARED((ACC_ROWS, feat_w), jnp.int16),
        [pltpu.SemaphoreType.DMA for _ in range(4)],
        [pltpu.SemaphoreType.DMA for _ in range(4)],
    ]

    def body(h_hbm, ei_hbm, pad_hbm, zero_hbm, out_hbm,
             src_v, dst_v, rows, acc, sem_g, sem_s):
        c = lax.axis_index("c")
        s = lax.axis_index("s")
        wid = c * NS + s
        row0 = s * ROWS_PER_TILE

        pltpu.sync_copy(zero_hbm, acc.at[pl.ds(row0, ROWS_PER_TILE)])
        g0 = wid * GROUPS_PER_TILE

        @pl.when(wid < NW - 1)
        def _():
            pltpu.sync_copy(ei_hbm.at[0, pl.ds(g0, GROUPS_PER_TILE)], src_v)
            pltpu.sync_copy(ei_hbm.at[1, pl.ds(g0, GROUPS_PER_TILE)], dst_v)

        @pl.when(wid == NW - 1)
        def _():
            g1 = (NW - 1) * GROUPS_PER_TILE
            pltpu.sync_copy(ei_hbm.at[0, pl.ds(g1, LAST_REAL)],
                            src_v.at[pl.ds(0, LAST_REAL)])
            pltpu.sync_copy(pad_hbm.at[0],
                            src_v.at[pl.ds(LAST_REAL, PAD_GROUPS)])
            pltpu.sync_copy(ei_hbm.at[1, pl.ds(g1, LAST_REAL)],
                            dst_v.at[pl.ds(0, LAST_REAL)])
            pltpu.sync_copy(pad_hbm.at[1],
                            dst_v.at[pl.ds(LAST_REAL, PAD_GROUPS)])

        plsc.subcore_barrier()

        def gath(j, g):
            pltpu.async_copy(h_hbm.at[src_v.at[g]], rows[j], sem_g[j])

        def scat(j, g):
            pltpu.async_copy(rows[j], acc.at[dst_v.at[g]], sem_s[j], add=True)

        def wait_gath(j):
            pltpu.make_async_copy(h_hbm.at[src_v.at[0]], rows[j],
                                  sem_g[j]).wait()

        def wait_scat(j):
            pltpu.make_async_copy(rows[j], acc.at[dst_v.at[0]],
                                  sem_s[j]).wait()

        for j in range(4):
            gath(j, j)

        def step(i, carry):
            g4 = 4 * i
            for j in range(4):
                wait_gath(j)
                scat(j, g4 + j)
            for j in range(4):
                wait_scat(j)
                gath(j, g4 + 4 + j)
            return carry

        lax.fori_loop(0, GROUPS_PER_TILE // 4 - 1, step, 0)
        g4 = GROUPS_PER_TILE - 4
        for j in range(4):
            wait_gath(j)
            scat(j, g4 + j)
        for j in range(4):
            wait_scat(j)

        plsc.subcore_barrier()
        pltpu.sync_copy(acc.at[pl.ds(row0, ROWS_PER_TILE)],
                        out_hbm.at[c, pl.ds(row0, ROWS_PER_TILE)])

    return pl.kernel(body, out_type=out_type, mesh=mesh, scratch_types=scratch,
                     compiler_params=pltpu.CompilerParams(
                         use_tc_tiling_on_sc=False),
                     name=f"sc_segsum_{feat_w}")



_DOT = functools.partial(jnp.dot, preferred_element_type=jnp.float32,
                         precision=lax.Precision.DEFAULT)


def _quantize(h, width):
    n, f = h.shape
    q = jnp.round(h * SCALE).astype(jnp.int16)
    fill = jnp.full((n, width - f), SCALE, jnp.int16)
    return jnp.concatenate([q, fill], axis=1)


def _lin1_body(x_ref, w_ref, b_ref, o_ref, q_ref):
    h = _DOT(x_ref[...], w_ref[...]) + b_ref[...]
    o_ref[...] = h
    q_ref[...] = _quantize(h, W1Q)


def _lin1(x, w, b):
    return pl.pallas_call(
        _lin1_body,
        out_shape=[jax.ShapeDtypeStruct((x.shape[0], w.shape[1]), jnp.float32),
                   jax.ShapeDtypeStruct((x.shape[0], W1Q), jnp.int16)],
    )(x, w, b.reshape(1, -1))


def _combine1_body(h_ref, s_ref, w1_ref, b1_ref, w2_ref, b2_ref,
                   o_ref, q_ref, inv_ref):
    h = h_ref[...]
    ssum = (s_ref[0, :N_NODES, :].astype(jnp.float32)
            + s_ref[1, :N_NODES, :].astype(jnp.float32))
    cnt = ssum[:, 64:65] * INV_SCALE
    inv = 1.0 / (cnt + 1.0)
    aggr = (ssum[:, :64] * INV_SCALE + h) * inv
    w1 = w1_ref[...]
    x1 = jnp.maximum(_DOT(h, w1[:64]) + _DOT(aggr, w1[64:]) + b1_ref[...], 0.0)
    h2 = _DOT(x1, w2_ref[...]) + b2_ref[...]
    o_ref[...] = h2
    q_ref[...] = _quantize(h2, W2Q)
    inv_ref[...] = jnp.broadcast_to(inv, (N_NODES, 8))


def _combine1(h, s_part, w1, b1, w2, b2):
    return pl.pallas_call(
        _combine1_body,
        out_shape=[jax.ShapeDtypeStruct((N_NODES, w2.shape[1]), jnp.float32),
                   jax.ShapeDtypeStruct((N_NODES, W2Q), jnp.int16),
                   jax.ShapeDtypeStruct((N_NODES, 8), jnp.float32)],
    )(h, s_part, w1, b1.reshape(1, -1), w2, b2.reshape(1, -1))


def _combine2_body(h_ref, s_ref, inv_ref, w1_ref, b1_ref, w2_ref, b2_ref,
                   o_ref):
    h = h_ref[...]
    ssum = (s_ref[0, :N_NODES, :32].astype(jnp.float32)
            + s_ref[1, :N_NODES, :32].astype(jnp.float32))
    aggr = (ssum * INV_SCALE + h) * inv_ref[:, 0:1]
    w1 = w1_ref[...]
    x2 = jnp.maximum(_DOT(h, w1[:32]) + _DOT(aggr, w1[32:]) + b1_ref[...], 0.0)
    o_ref[...] = _DOT(x2, w2_ref[...]) + b2_ref[...]


def _combine2(h, s_part, cnt_inv, w1, b1, w2, b2):
    return pl.pallas_call(
        _combine2_body,
        out_shape=jax.ShapeDtypeStruct((N_NODES, w2.shape[1]), jnp.float32),
    )(h, s_part, cnt_inv, w1, b1.reshape(1, -1), w2, b2.reshape(1, -1))



def kernel(x, edge_index, c1_W2, c1_b2, c1_W1, c1_b1,
           c2_W2, c2_b2, c2_W1, c2_b1, lin_W, lin_b):
    ei3 = edge_index.reshape(2, REAL_GROUPS, GROUP)
    pads = jnp.asarray(_PAD_EDGES)

    zero1 = jnp.zeros((ROWS_PER_TILE, W1Q), jnp.int16)
    zero2 = jnp.zeros((ROWS_PER_TILE, W2Q), jnp.int16)

    h1, h1q = _lin1(x, c1_W2, c1_b2)
    s1 = _sc_segment_sum(W1Q)(h1q, ei3, pads, zero1)
    h2, h2q, cnt_inv = _combine1(h1, s1, c1_W1, c1_b1, c2_W2, c2_b2)
    s2 = _sc_segment_sum(W2Q)(h2q, ei3, pads, zero2)
    return _combine2(h2, s2, cnt_inv, c2_W1, c2_b1, lin_W, lin_b)

# --- scband reference (transcript-rebuilt; emitter-appended) ---
"""Pipeline reference for scband-fae-feat-graph-conv-6107443495307 (READ-ONLY COPY).

The authoritative reference and input builder live on the scoring server;
editing this copy changes nothing except your own understanding.
"""

import jax, jax.numpy as jnp
import numpy as np

N = 10000
E = 320000
IN_CH = 128


def _glorot(key, fan_in, fan_out):
    return jax.random.normal(key, (fan_in, fan_out), dtype=jnp.float32) / np.sqrt(fan_in)


def setup_inputs(seed: int = 0) -> dict:
    key = jax.random.key(seed)
    ks = jax.random.split(key, 10)
    x = jax.random.normal(ks[0], (N, IN_CH), dtype=jnp.float32)
    src = jax.random.randint(ks[1], (E,), 0, N)
    dst = jax.random.randint(ks[2], (E,), 0, N)
    # ensure no pre-existing self loops so that appending all self loops
    # exactly matches PyG add_remaining_self_loops
    dst = jnp.where(src == dst, (dst + 1) % N, dst)
    edge_index = jnp.stack([src, dst]).astype(jnp.int32)
    # conv1: FeatGraphConv(in=128, hidden=64, out=64)
    c1_W2 = _glorot(ks[3], IN_CH, 64)   # lin2: in_channels -> hidden
    c1_b2 = jnp.zeros((64,), jnp.float32)
    c1_W1 = _glorot(ks[4], 128, 64)     # lin1: 2*hidden -> out
    c1_b1 = jnp.zeros((64,), jnp.float32)
    # conv2: FeatGraphConv(in=64, hidden=32, out=32)
    c2_W2 = _glorot(ks[5], 64, 32)
    c2_b2 = jnp.zeros((32,), jnp.float32)
    c2_W1 = _glorot(ks[6], 64, 32)      # 2*32 -> 32
    c2_b1 = jnp.zeros((32,), jnp.float32)
    lin_W = _glorot(ks[7], 32, 1)
    lin_b = jnp.zeros((1,), jnp.float32)
    return {"x": x, "edge_index": edge_index,
            "c1_W2": c1_W2, "c1_b2": c1_b2, "c1_W1": c1_W1, "c1_b1": c1_b1,
            "c2_W2": c2_W2, "c2_b2": c2_b2, "c2_W1": c2_W1, "c2_b1": c2_b1,
            "lin_W": lin_W, "lin_b": lin_b}


def _feat_graph_conv(x, ei, W2, b2, W1, b1):
    # h = lin2(x)
    h = x @ W2 + b2
    src, dst = ei[0], ei[1]
    # message: h_j (edge_weight is None)
    msg = jnp.take(h, src, axis=0)
    # mean aggregation over incoming edges (self loops included)
    s = jax.ops.segment_sum(msg, dst, num_segments=N)
    cnt = jax.ops.segment_sum(jnp.ones((ei.shape[1],), jnp.float32), dst, num_segments=N)
    aggr = s / cnt[:, None]
    # update: lin1(cat(h, aggr))
    return jnp.concatenate([h, aggr], axis=1) @ W1 + b1


def reference(x, edge_index, c1_W2, c1_b2, c1_W1, c1_b1, c2_W2, c2_b2, c2_W1, c2_b1, lin_W, lin_b):
    loop = jnp.arange(N, dtype=edge_index.dtype)
    ei = jnp.concatenate([edge_index, jnp.stack([loop, loop])], axis=1)
    x1 = jax.nn.relu(_feat_graph_conv(x, ei, c1_W2, c1_b2, c1_W1, c1_b1))
    x2 = jax.nn.relu(_feat_graph_conv(x1, ei, c2_W2, c2_b2, c2_W1, c2_b1))
    return x2 @ lin_W + lin_b

if __name__ == "__main__":
    import jax
    _d = setup_inputs()
    print(jax.jit(kernel)(*tuple(_d.values())))

</pallas_src>

<mosaic_0001>
#map = affine_map<(d0, d1) -> (0, 0)>
#map1 = affine_map<(d0, d1) -> (0, 0, 0)>
module attributes {stable_mosaic.version = 14 : i64} {
  func.func @sc_segsum_80(%arg0: i32, %arg1: i32, %arg2: memref<10000x80xi16, #tpu.memory_space<hbm>>, %arg3: memref<2x2500x128xi32, #tpu.memory_space<hbm>>, %arg4: memref<2x60x128xi32, #tpu.memory_space<hbm>>, %arg5: memref<632x80xi16, #tpu.memory_space<hbm>>, %arg6: memref<2x10112x80xi16, #tpu.memory_space<hbm>>, %arg7: memref<80x128xi32, #tpu.memory_space<vmem>>, %arg8: memref<80x128xi32, #tpu.memory_space<vmem>>, %arg9: memref<128x80xi16, #tpu.memory_space<vmem>>, %arg10: memref<128x80xi16, #tpu.memory_space<vmem>>, %arg11: memref<128x80xi16, #tpu.memory_space<vmem>>, %arg12: memref<128x80xi16, #tpu.memory_space<vmem>>, %arg13: memref<10112x80xi16, #tpu.memory_space<vmem_shared>>, %arg14: memref<!tpu.dma_semaphore, #tpu.memory_space<semaphore_mem>>, %arg15: memref<!tpu.dma_semaphore, #tpu.memory_space<semaphore_mem>>, %arg16: memref<!tpu.dma_semaphore, #tpu.memory_space<semaphore_mem>>, %arg17: memref<!tpu.dma_semaphore, #tpu.memory_space<semaphore_mem>>, %arg18: memref<!tpu.dma_semaphore, #tpu.memory_space<semaphore_mem>>, %arg19: memref<!tpu.dma_semaphore, #tpu.memory_space<semaphore_mem>>, %arg20: memref<!tpu.dma_semaphore, #tpu.memory_space<semaphore_mem>>, %arg21: memref<!tpu.dma_semaphore, #tpu.memory_space<semaphore_mem>>) attributes {dimension_semantics = [#tpu.dimension_semantics<core_parallel>, #tpu.dimension_semantics<subcore_parallel>], iteration_bounds = array<i64: 2, 16>, scalar_prefetch = 0 : i64, scratch_operands = 15 : i64, tpu.core_type = #tpu.core_type<sc_vector_subcore>, window_params = [{transform_indices = #map}, {transform_indices = #map1}, {transform_indices = #map1}, {transform_indices = #map}, {transform_indices = #map1}]} {
    %mul3A = arith.constant 16 : i32
    %mul3A_0 = arith.muli %arg0, %mul3A : i32
    %add3A = arith.addi %mul3A_0, %arg1 : i32
    %mul3A_1 = arith.constant 632 : i32
    %mul3A_2 = arith.muli %arg1, %mul3A_1 : i32
    "tpu.region"() ({
      %run_scoped3A = tpu.sem_alloc : memref<!tpu.dma_semaphore, #tpu.memory_space<semaphore_mem>>
      %dma_start3A_127 = arith.constant 0 : i32
      %dma_start3A_128 = tpu.memref_slice %arg13[%mul3A_2, %dma_start3A_127] : memref<10112x80xi16, #tpu.memory_space<vmem_shared>> -> memref<632x80xi16, #tpu.memory_space<vmem_shared>>
      tpu.enqueue_dma source(%arg5 : memref<632x80xi16, #tpu.memory_space<hbm>>) target(%dma_start3A_128 : memref<632x80xi16, #tpu.memory_space<vmem_shared>>) target_semaphore(%run_scoped3A : memref<!tpu.dma_semaphore, #tpu.memory_space<semaphore_mem>>)
      %dma_wait3A_129 = arith.constant 0 : i32
      %dma_wait3A_130 = tpu.memref_slice %arg13[%mul3A_2, %dma_wait3A_129] : memref<10112x80xi16, #tpu.memory_space<vmem_shared>> -> memref<632x80xi16, #tpu.memory_space<vmem_shared>>
      tpu.wait_dma2 semaphore(%run_scoped3A : memref<!tpu.dma_semaphore, #tpu.memory_space<semaphore_mem>>) src(%arg5 : memref<632x80xi16, #tpu.memory_space<hbm>>) dst(%dma_wait3A_130 : memref<632x80xi16, #tpu.memory_space<vmem_shared>>)
      tpu.yield
    }) : () -> ()
    %mul3A_3 = arith.constant 80 : i32
    %mul3A_4 = arith.muli %add3A, %mul3A_3 : i32
    %lt3A = arith.constant 31 : i32
    %lt3A_5 = arith.cmpi slt, %add3A, %lt3A : i32
    %convert_element_type3A = arith.extui %lt3A_5 : i1 to i32
    %cond3A = arith.constant 0 : i32
    %cond3A_6 = arith.cmpi ne, %convert_element_type3A, %cond3A : i32
    scf.if %cond3A_6 {
      %run_scoped3A = arith.constant 0 : i32
      "tpu.region"() ({
        %run_scoped3A_128 = tpu.sem_alloc : memref<!tpu.dma_semaphore, #tpu.memory_space<semaphore_mem>>
        %dma_start3A_129 = arith.constant 0 : i32
        %dma_start3A_130 = tpu.memref_slice %arg3[%run_scoped3A, %mul3A_4, %dma_start3A_129] : memref<2x2500x128xi32, #tpu.memory_space<hbm>> -> memref<1x80x128xi32, #tpu.memory_space<hbm>>
        %dma_start3A_131 = tpu.memref_squeeze %dma_start3A_130 : memref<1x80x128xi32, #tpu.memory_space<hbm>> -> memref<80x128xi32, #tpu.memory_space<hbm>>
        %dma_start3A_132 = arith.constant 0 : i32
        %dma_start3A_133 = tpu.memref_slice %arg3[%run_scoped3A, %mul3A_4, %dma_start3A_132] : memref<2x2500x128xi32, #tpu.memory_space<hbm>> -> memref<1x80x128xi32, #tpu.memory_space<hbm>>
        %dma_start3A_134 = tpu.memref_squeeze %dma_start3A_133 : memref<1x80x128xi32, #tpu.memory_space<hbm>> -> memref<80x128xi32, #tpu.memory_space<hbm>>
        tpu.enqueue_dma source(%dma_start3A_134 : memref<80x128xi32, #tpu.memory_space<hbm>>) target(%arg7 : memref<80x128xi32, #tpu.memory_space<vmem>>) target_semaphore(%run_scoped3A_128 : memref<!tpu.dma_semaphore, #tpu.memory_space<semaphore_mem>>)
        %dma_wait3A_135 = arith.constant 0 : i32
        %dma_wait3A_136 = tpu.memref_slice %arg3[%run_scoped3A, %mul3A_4, %dma_wait3A_135] : memref<2x2500x128xi32, #tpu.memory_space<hbm>> -> memref<1x80x128xi32, #tpu.memory_space<hbm>>
        %dma_wait3A_137 = tpu.memref_squeeze %dma_wait3A_136 : memref<1x80x128xi32, #tpu.memory_space<hbm>> -> memref<80x128xi32, #tpu.memory_space<hbm>>
        %dma_wait3A_138 = arith.constant 0 : i32
        %dma_wait3A_139 = tpu.memref_slice %arg3[%run_scoped3A, %mul3A_4, %dma_wait3A_138] : memref<2x2500x128xi32, #tpu.memory_space<hbm>> -> memref<1x80x128xi32, #tpu.memory_space<hbm>>
        %dma_wait3A_140 = tpu.memref_squeeze %dma_wait3A_139 : memref<1x80x128xi32, #tpu.memory_space<hbm>> -> memref<80x128xi32, #tpu.memory_space<hbm>>
        tpu.wait_dma2 semaphore(%run_scoped3A_128 : memref<!tpu.dma_semaphore, #tpu.memory_space<semaphore_mem>>) src(%dma_wait3A_140 : memref<80x128xi32, #tpu.memory_space<hbm>>) dst(%arg7 : memref<80x128xi32, #tpu.memory_space<vmem>>)
        tpu.yield
      }) : () -> ()
      %run_scoped3A_127 = arith.constant 1 : i32
      "tpu.region"() ({
        %run_scoped3A_128 = tpu.sem_alloc : memref<!tpu.dma_semaphore, #tpu.memory_space<semaphore_mem>>
        %dma_start3A_129 = arith.constant 0 : i32
        %dma_start3A_130 = tpu.memref_slice %arg3[%run_scoped3A_127, %mul3A_4, %dma_start3A_129] : memref<2x2500x128xi32, #tpu.memory_space<hbm>> -> memref<1x80x128xi32, #tpu.memory_space<hbm>>
        %dma_start3A_131 = tpu.memref_squeeze %dma_start3A_130 : memref<1x80x128xi32, #tpu.memory_space<hbm>> -> memref<80x128xi32, #tpu.memory_space<hbm>>
        %dma_start3A_132 = arith.constant 0 : i32
        %dma_start3A_133 = tpu.memref_slice %arg3[%run_scoped3A_127, %mul3A_4, %dma_start3A_132] : memref<2x2500x128xi32, #tpu.memory_space<hbm>> -> memref<1x80x128xi32, #tpu.memory_space<hbm>>
        %dma_start3A_134 = tpu.memref_squeeze %dma_start3A_133 : memref<1x80x128xi32, #tpu.memory_space<hbm>> -> memref<80x128xi32, #tpu.memory_space<hbm>>
        tpu.enqueue_dma source(%dma_start3A_134 : memref<80x128xi32, #tpu.memory_space<hbm>>) target(%arg8 : memref<80x128xi32, #tpu.memory_space<vmem>>) target_semaphore(%run_scoped3A_128 : memref<!tpu.dma_semaphore, #tpu.memory_space<semaphore_mem>>)
        %dma_wait3A_135 = arith.constant 0 : i32
        %dma_wait3A_136 = tpu.memref_slice %arg3[%run_scoped3A_127, %mul3A_4, %dma_wait3A_135] : memref<2x2500x128xi32, #tpu.memory_space<hbm>> -> memref<1x80x128xi32, #tpu.memory_space<hbm>>
        %dma_wait3A_137 = tpu.memref_squeeze %dma_wait3A_136 : memref<1x80x128xi32, #tpu.memory_space<hbm>> -> memref<80x128xi32, #tpu.memory_space<hbm>>
        %dma_wait3A_138 = arith.constant 0 : i32
        %dma_wait3A_139 = tpu.memref_slice %arg3[%run_scoped3A_127, %mul3A_4, %dma_wait3A_138] : memref<2x2500x128xi32, #tpu.memory_space<hbm>> -> memref<1x80x128xi32, #tpu.memory_space<hbm>>
        %dma_wait3A_140 = tpu.memref_squeeze %dma_wait3A_139 : memref<1x80x128xi32, #tpu.memory_space<hbm>> -> memref<80x128xi32, #tpu.memory_space<hbm>>
        tpu.wait_dma2 semaphore(%run_scoped3A_128 : memref<!tpu.dma_semaphore, #tpu.memory_space<semaphore_mem>>) src(%dma_wait3A_140 : memref<80x128xi32, #tpu.memory_space<hbm>>) dst(%arg8 : memref<80x128xi32, #tpu.memory_space<vmem>>)
        tpu.yield
      }) : () -> ()
    } else {
    }
    %eq3A = arith.constant 31 : i32
    %eq3A_7 = arith.cmpi eq, %add3A, %eq3A : i32
    %convert_element_type3A_8 = arith.extui %eq3A_7 : i1 to i32
    %cond3A_9 = arith.constant 0 : i32
    %cond3A_10 = arith.cmpi ne, %convert_element_type3A_8, %cond3A_9 : i32
    scf.if %cond3A_10 {
      %run_scoped3A = arith.constant 0 : i32
      "tpu.region"() ({
        %run_scoped3A_130 = tpu.sem_alloc : memref<!tpu.dma_semaphore, #tpu.memory_space<semaphore_mem>>
        %dma_start3A_131 = arith.constant 0 : i32
        %dma_start3A_132 = arith.constant 0 : i32
        %dma_start3A_133 = tpu.memref_slice %arg7[%dma_start3A_131, %dma_start3A_132] : memref<80x128xi32, #tpu.memory_space<vmem>> -> memref<20x128xi32, #tpu.memory_space<vmem>>
        %dma_start3A_134 = arith.constant 2480 : i32
        %dma_start3A_135 = arith.constant 0 : i32
        %dma_start3A_136 = tpu.memref_slice %arg3[%run_scoped3A, %dma_start3A_134, %dma_start3A_135] : memref<2x2500x128xi32, #tpu.memory_space<hbm>> -> memref<1x20x128xi32, #tpu.memory_space<hbm>>
        %dma_start3A_137 = tpu.memref_squeeze %dma_start3A_136 : memref<1x20x128xi32, #tpu.memory_space<hbm>> -> memref<20x128xi32, #tpu.memory_space<hbm>>
        %dma_start3A_138 = arith.constant 0 : i32
        %dma_start3A_139 = arith.constant 0 : i32
        %dma_start3A_140 = tpu.memref_slice %arg7[%dma_start3A_138, %dma_start3A_139] : memref<80x128xi32, #tpu.memory_space<vmem>> -> memref<20x128xi32, #tpu.memory_space<vmem>>
        %dma_start3A_141 = arith.constant 2480 : i32
        %dma_start3A_142 = arith.constant 0 : i32
        %dma_start3A_143 = tpu.memref_slice %arg3[%run_scoped3A, %dma_start3A_141, %dma_start3A_142] : memref<2x2500x128xi32, #tpu.memory_space<hbm>> -> memref<1x20x128xi32, #tpu.memory_space<hbm>>
        %dma_start3A_144 = tpu.memref_squeeze %dma_start3A_143 : memref<1x20x128xi32, #tpu.memory_space<hbm>> -> memref<20x128xi32, #tpu.memory_space<hbm>>
        tpu.enqueue_dma source(%dma_start3A_144 : memref<20x128xi32, #tpu.memory_space<hbm>>) target(%dma_start3A_140 : memref<20x128xi32, #tpu.memory_space<vmem>>) target_semaphore(%run_scoped3A_130 : memref<!tpu.dma_semaphore, #tpu.memory_space<semaphore_mem>>)
        %dma_wait3A_145 = arith.constant 0 : i32
        %dma_wait3A_146 = arith.constant 0 : i32
        %dma_wait3A_147 = tpu.memref_slice %arg7[%dma_wait3A_145, %dma_wait3A_146] : memref<80x128xi32, #tpu.memory_space<vmem>> -> memref<20x128xi32, #tpu.memory_space<vmem>>
        %dma_wait3A_148 = arith.constant 2480 : i32
        %dma_wait3A_149 = arith.constant 0 : i32
        %dma_wait3A_150 = tpu.memref_slice %arg3[%run_scoped3A, %dma_wait3A_148, %dma_wait3A_149] : memref<2x2500x128xi32, #tpu.memory_space<hbm>> -> memref<1x20x128xi32, #tpu.memory_space<hbm>>
        %dma_wait3A_151 = tpu.memref_squeeze %dma_wait3A_150 : memref<1x20x128xi32, #tpu.memory_space<hbm>> -> memref<20x128xi32, #tpu.memory_space<hbm>>
        %dma_wait3A_152 = arith.constant 0 : i32
        %dma_wait3A_153 = arith.constant 0 : i32
        %dma_wait3A_154 = tpu.memref_slice %arg7[%dma_wait3A_152, %dma_wait3A_153] : memref<80x128xi32, #tpu.memory_space<vmem>> -> memref<20x128xi32, #tpu.memory_space<vmem>>
        %dma_wait3A_155 = arith.constant 2480 : i32
        %dma_wait3A_156 = arith.constant 0 : i32
        %dma_wait3A_157 = tpu.memref_slice %arg3[%run_scoped3A, %dma_wait3A_155, %dma_wait3A_156] : memref<2x2500x128xi32, #tpu.memory_space<hbm>> -> memref<1x20x128xi32, #tpu.memory_space<hbm>>
        %dma_wait3A_158 = tpu.memref_squeeze %dma_wait3A_157 : memref<1x20x128xi32, #tpu.memory_space<hbm>> -> memref<20x128xi32, #tpu.memory_space<hbm>>
        tpu.wait_dma2 semaphore(%run_scoped3A_130 : memref<!tpu.dma_semaphore, #tpu.memory_space<semaphore_mem>>) src(%dma_wait3A_158 : memref<20x128xi32, #tpu.memory_space<hbm>>) dst(%dma_wait3A_154 : memref<20x128xi32, #tpu.memory_space<vmem>>)
        tpu.yield
      }) : () -> ()
      %run_scoped3A_127 = arith.constant 0 : i32
      "tpu.region"() ({
        %run_scoped3A_130 = tpu.sem_alloc : memref<!tpu.dma_semaphore, #tpu.memory_space<semaphore_mem>>
        %dma_start3A_131 = arith.constant 20 : i32
        %dma_start3A_132 = arith.constant 0 : i32
        %dma_start3A_133 = tpu.memref_slice %arg7[%dma_start3A_131, %dma_start3A_132] : memref<80x128xi32, #tpu.memory_space<vmem>> -> memref<60x128xi32, #tpu.memory_space<vmem>>
        %dma_start3A_134 = arith.constant 0 : i32
        %dma_start3A_135 = arith.constant 0 : i32
        %dma_start3A_136 = tpu.memref_slice %arg4[%run_scoped3A_127, %dma_start3A_134, %dma_start3A_135] : memref<2x60x128xi32, #tpu.memory_space<hbm>> -> memref<1x60x128xi32, #tpu.memory_space<hbm>>
        %dma_start3A_137 = tpu.memref_squeeze %dma_start3A_136 : memref<1x60x128xi32, #tpu.memory_space<hbm>> -> memref<60x128xi32, #tpu.memory_space<hbm>>
        %dma_start3A_138 = arith.constant 20 : i32
        %dma_start3A_139 = arith.constant 0 : i32
        %dma_start3A_140 = tpu.memref_slice %arg7[%dma_start3A_138, %dma_start3A_139] : memref<80x128xi32, #tpu.memory_space<vmem>> -> memref<60x128xi32, #tpu.memory_space<vmem>>
        %dma_start3A_141 = arith.constant 0 : i32
        %dma_start3A_142 = arith.constant 0 : i32
        %dma_start3A_143 = tpu.memref_slice %arg4[%run_scoped3A_127, %dma_start3A_141, %dma_start3A_142] : memref<2x60x128xi32, #tpu.memory_space<hbm>> -> memref<1x60x128xi32, #tpu.memory_space<hbm>>
        %dma_start3A_144 = tpu.memref_squeeze %dma_start3A_143 : memref<1x60x128xi32, #tpu.memory_space<hbm>> -> memref<60x128xi32, #tpu.memory_space<hbm>>
        tpu.enqueue_dma source(%dma_start3A_144 : memref<60x128xi32, #tpu.memory_space<hbm>>) target(%dma_start3A_140 : memref<60x128xi32, #tpu.memory_space<vmem>>) target_semaphore(%run_scoped3A_130 : memref<!tpu.dma_semaphore, #tpu.memory_space<semaphore_mem>>)
        %dma_wait3A_145 = arith.constant 20 : i32
        %dma_wait3A_146 = arith.constant 0 : i32
        %dma_wait3A_147 = tpu.memref_slice %arg7[%dma_wait3A_145, %dma_wait3A_146] : memref<80x128xi32, #tpu.memory_space<vmem>> -> memref<60x128xi32, #tpu.memory_space<vmem>>
        %dma_wait3A_148 = arith.constant 0 : i32
        %dma_wait3A_149 = arith.constant 0 : i32
        %dma_wait3A_150 = tpu.memref_slice %arg4[%run_scoped3A_127, %dma_wait3A_148, %dma_wait3A_149] : memref<2x60x128xi32, #tpu.memory_space<hbm>> -> memref<1x60x128xi32, #tpu.memory_space<hbm>>
        %dma_wait3A_151 = tpu.memref_squeeze %dma_wait3A_150 : memref<1x60x128xi32, #tpu.memory_space<hbm>> -> memref<60x128xi32, #tpu.memory_space<hbm>>
        %dma_wait3A_152 = arith.constant 20 : i32
        %dma_wait3A_153 = arith.constant 0 : i32
        %dma_wait3A_154 = tpu.memref_slice %arg7[%dma_wait3A_152, %dma_wait3A_153] : memref<80x128xi32, #tpu.memory_space<vmem>> -> memref<60x128xi32, #tpu.memory_space<vmem>>
        %dma_wait3A_155 = arith.constant 0 : i32
        %dma_wait3A_156 = arith.constant 0 : i32
        %dma_wait3A_157 = tpu.memref_slice %arg4[%run_scoped3A_127, %dma_wait3A_155, %dma_wait3A_156] : memref<2x60x128xi32, #tpu.memory_space<hbm>> -> memref<1x60x128xi32, #tpu.memory_space<hbm>>
        %dma_wait3A_158 = tpu.memref_squeeze %dma_wait3A_157 : memref<1x60x128xi32, #tpu.memory_space<hbm>> -> memref<60x128xi32, #tpu.memory_space<hbm>>
        tpu.wait_dma2 semaphore(%run_scoped3A_130 : memref<!tpu.dma_semaphore, #tpu.memory_space<semaphore_mem>>) src(%dma_wait3A_158 : memref<60x128xi32, #tpu.memory_space<hbm>>) dst(%dma_wait3A_154 : memref<60x128xi32, #tpu.memory_space<vmem>>)
        tpu.yield
      }) : () -> ()
      %run_scoped3A_128 = arith.constant 1 : i32
      "tpu.region"() ({
        %run_scoped3A_130 = tpu.sem_alloc : memref<!tpu.dma_semaphore, #tpu.memory_space<semaphore_mem>>
        %dma_start3A_131 = arith.constant 0 : i32
        %dma_start3A_132 = arith.constant 0 : i32
        %dma_start3A_133 = tpu.memref_slice %arg8[%dma_start3A_131, %dma_start3A_132] : memref<80x128xi32, #tpu.memory_space<vmem>> -> memref<20x128xi32, #tpu.memory_space<vmem>>
        %dma_start3A_134 = arith.constant 2480 : i32
        %dma_start3A_135 = arith.constant 0 : i32
        %dma_start3A_136 = tpu.memref_slice %arg3[%run_scoped3A_128, %dma_start3A_134, %dma_start3A_135] : memref<2x2500x128xi32, #tpu.memory_space<hbm>> -> memref<1x20x128xi32, #tpu.memory_space<hbm>>
        %dma_start3A_137 = tpu.memref_squeeze %dma_start3A_136 : memref<1x20x128xi32, #tpu.memory_space<hbm>> -> memref<20x128xi32, #tpu.memory_space<hbm>>
        %dma_start3A_138 = arith.constant 0 : i32
        %dma_start3A_139 = arith.constant 0 : i32
        %dma_start3A_140 = tpu.memref_slice %arg8[%dma_start3A_138, %dma_start3A_139] : memref<80x128xi32, #tpu.memory_space<vmem>> -> memref<20x128xi32, #tpu.memory_space<vmem>>
        %dma_start3A_141 = arith.constant 2480 : i32
        %dma_start3A_142 = arith.constant 0 : i32
        %dma_start3A_143 = tpu.memref_slice %arg3[%run_scoped3A_128, %dma_start3A_141, %dma_start3A_142] : memref<2x2500x128xi32, #tpu.memory_space<hbm>> -> memref<1x20x128xi32, #tpu.memory_space<hbm>>
        %dma_start3A_144 = tpu.memref_squeeze %dma_start3A_143 : memref<1x20x128xi32, #tpu.memory_space<hbm>> -> memref<20x128xi32, #tpu.memory_space<hbm>>
        tpu.enqueue_dma source(%dma_start3A_144 : memref<20x128xi32, #tpu.memory_space<hbm>>) target(%dma_start3A_140 : memref<20x128xi32, #tpu.memory_space<vmem>>) target_semaphore(%run_scoped3A_130 : memref<!tpu.dma_semaphore, #tpu.memory_space<semaphore_mem>>)
        %dma_wait3A_145 = arith.constant 0 : i32
        %dma_wait3A_146 = arith.constant 0 : i32
        %dma_wait3A_147 = tpu.memref_slice %arg8[%dma_wait3A_145, %dma_wait3A_146] : memref<80x128xi32, #tpu.memory_space<vmem>> -> memref<20x128xi32, #tpu.memory_space<vmem>>
        %dma_wait3A_148 = arith.constant 2480 : i32
        %dma_wait3A_149 = arith.constant 0 : i32
        %dma_wait3A_150 = tpu.memref_slice %arg3[%run_scoped3A_128, %dma_wait3A_148, %dma_wait3A_149] : memref<2x2500x128xi32, #tpu.memory_space<hbm>> -> memref<1x20x128xi32, #tpu.memory_space<hbm>>
        %dma_wait3A_151 = tpu.memref_squeeze %dma_wait3A_150 : memref<1x20x128xi32, #tpu.memory_space<hbm>> -> memref<20x128xi32, #tpu.memory_space<hbm>>
        %dma_wait3A_152 = arith.constant 0 : i32
        %dma_wait3A_153 = arith.constant 0 : i32
        %dma_wait3A_154 = tpu.memref_slice %arg8[%dma_wait3A_152, %dma_wait3A_153] : memref<80x128xi32, #tpu.memory_space<vmem>> -> memref<20x128xi32, #tpu.memory_space<vmem>>
        %dma_wait3A_155 = arith.constant 2480 : i32
        %dma_wait3A_156 = arith.constant 0 : i32
        %dma_wait3A_157 = tpu.memref_slice %arg3[%run_scoped3A_128, %dma_wait3A_155, %dma_wait3A_156] : memref<2x2500x128xi32, #tpu.memory_space<hbm>> -> memref<1x20x128xi32, #tpu.memory_space<hbm>>
        %dma_wait3A_158 = tpu.memref_squeeze %dma_wait3A_157 : memref<1x20x128xi32, #tpu.memory_space<hbm>> -> memref<20x128xi32, #tpu.memory_space<hbm>>
        tpu.wait_dma2 semaphore(%run_scoped3A_130 : memref<!tpu.dma_semaphore, #tpu.memory_space<semaphore_mem>>) src(%dma_wait3A_158 : memref<20x128xi32, #tpu.memory_space<hbm>>) dst(%dma_wait3A_154 : memref<20x128xi32, #tpu.memory_space<vmem>>)
        tpu.yield
      }) : () -> ()
      %run_scoped3A_129 = arith.constant 1 : i32
      "tpu.region"() ({
        %run_scoped3A_130 = tpu.sem_alloc : memref<!tpu.dma_semaphore, #tpu.memory_space<semaphore_mem>>
        %dma_start3A_131 = arith.constant 20 : i32
        %dma_start3A_132 = arith.constant 0 : i32
        %dma_start3A_133 = tpu.memref_slice %arg8[%dma_start3A_131, %dma_start3A_132] : memref<80x128xi32, #tpu.memory_space<vmem>> -> memref<60x128xi32, #tpu.memory_space<vmem>>
        %dma_start3A_134 = arith.constant 0 : i32
        %dma_start3A_135 = arith.constant 0 : i32
        %dma_start3A_136 = tpu.memref_slice %arg4[%run_scoped3A_129, %dma_start3A_134, %dma_start3A_135] : memref<2x60x128xi32, #tpu.memory_space<hbm>> -> memref<1x60x128xi32, #tpu.memory_space<hbm>>
        %dma_start3A_137 = tpu.memref_squeeze %dma_start3A_136 : memref<1x60x128xi32, #tpu.memory_space<hbm>> -> memref<60x128xi32, #tpu.memory_space<hbm>>
        %dma_start3A_138 = arith.constant 20 : i32
        %dma_start3A_139 = arith.constant 0 : i32
        %dma_start3A_140 = tpu.memref_slice %arg8[%dma_start3A_138, %dma_start3A_139] : memref<80x128xi32, #tpu.memory_space<vmem>> -> memref<60x128xi32, #tpu.memory_space<vmem>>
        %dma_start3A_141 = arith.constant 0 : i32
        %dma_start3A_142 = arith.constant 0 : i32
        %dma_start3A_143 = tpu.memref_slice %arg4[%run_scoped3A_129, %dma_start3A_141, %dma_start3A_142] : memref<2x60x128xi32, #tpu.memory_space<hbm>> -> memref<1x60x128xi32, #tpu.memory_space<hbm>>
        %dma_start3A_144 = tpu.memref_squeeze %dma_start3A_143 : memref<1x60x128xi32, #tpu.memory_space<hbm>> -> memref<60x128xi32, #tpu.memory_space<hbm>>
        tpu.enqueue_dma source(%dma_start3A_144 : memref<60x128xi32, #tpu.memory_space<hbm>>) target(%dma_start3A_140 : memref<60x128xi32, #tpu.memory_space<vmem>>) target_semaphore(%run_scoped3A_130 : memref<!tpu.dma_semaphore, #tpu.memory_space<semaphore_mem>>)
        %dma_wait3A_145 = arith.constant 20 : i32
        %dma_wait3A_146 = arith.constant 0 : i32
        %dma_wait3A_147 = tpu.memref_slice %arg8[%dma_wait3A_145, %dma_wait3A_146] : memref<80x128xi32, #tpu.memory_space<vmem>> -> memref<60x128xi32, #tpu.memory_space<vmem>>
        %dma_wait3A_148 = arith.constant 0 : i32
        %dma_wait3A_149 = arith.constant 0 : i32
        %dma_wait3A_150 = tpu.memref_slice %arg4[%run_scoped3A_129, %dma_wait3A_148, %dma_wait3A_149] : memref<2x60x128xi32, #tpu.memory_space<hbm>> -> memref<1x60x128xi32, #tpu.memory_space<hbm>>
        %dma_wait3A_151 = tpu.memref_squeeze %dma_wait3A_150 : memref<1x60x128xi32, #tpu.memory_space<hbm>> -> memref<60x128xi32, #tpu.memory_space<hbm>>
        %dma_wait3A_152 = arith.constant 20 : i32
        %dma_wait3A_153 = arith.constant 0 : i32
        %dma_wait3A_154 = tpu.memref_slice %arg8[%dma_wait3A_152, %dma_wait3A_153] : memref<80x128xi32, #tpu.memory_space<vmem>> -> memref<60x128xi32, #tpu.memory_space<vmem>>
        %dma_wait3A_155 = arith.constant 0 : i32
        %dma_wait3A_156 = arith.constant 0 : i32
        %dma_wait3A_157 = tpu.memref_slice %arg4[%run_scoped3A_129, %dma_wait3A_155, %dma_wait3A_156] : memref<2x60x128xi32, #tpu.memory_space<hbm>> -> memref<1x60x128xi32, #tpu.memory_space<hbm>>
        %dma_wait3A_158 = tpu.memref_squeeze %dma_wait3A_157 : memref<1x60x128xi32, #tpu.memory_space<hbm>> -> memref<60x128xi32, #tpu.memory_space<hbm>>
        tpu.wait_dma2 semaphore(%run_scoped3A_130 : memref<!tpu.dma_semaphore, #tpu.memory_space<semaphore_mem>>) src(%dma_wait3A_158 : memref<60x128xi32, #tpu.memory_space<hbm>>) dst(%dma_wait3A_154 : memref<60x128xi32, #tpu.memory_space<vmem>>)
        tpu.yield
      }) : () -> ()
    } else {
    }
    %barrier3A = arith.constant 0 : index
    tpu.barrier barrier_id(%barrier3A)
    %dma_start3A = arith.constant 0 : i32
    %dma_start3A_11 = arith.constant 0 : i32
    %dma_start3A_12 = tpu.memref_slice %arg7[%dma_start3A, %dma_start3A_11] : memref<80x128xi32, #tpu.memory_space<vmem>> -> memref<1x128xi32, #tpu.memory_space<vmem>>
    %dma_start3A_13 = tpu.memref_squeeze %dma_start3A_12 : memref<1x128xi32, #tpu.memory_space<vmem>> -> memref<128xi32, #tpu.memory_space<vmem>>
    %dma_start3A_14 = arith.constant 0 : i32
    %dma_start3A_15 = arith.constant 0 : i32
    %dma_start3A_16 = tpu.memref_slice %arg2[%dma_start3A_14, %dma_start3A_15] : memref<10000x80xi16, #tpu.memory_space<hbm>> -> memref<10000x80xi16, #tpu.memory_space<hbm>>
    tpu.enqueue_indirect_dma source(%dma_start3A_16 : memref<10000x80xi16, #tpu.memory_space<hbm>>) target(%arg9 : memref<128x80xi16, #tpu.memory_space<vmem>>) offsets(%dma_start3A_13 : memref<128xi32, #tpu.memory_space<vmem>>) semaphore(%arg14 : memref<!tpu.dma_semaphore, #tpu.memory_space<semaphore_mem>>)
    %dma_start3A_17 = arith.constant 1 : i32
    %dma_start3A_18 = arith.constant 0 : i32
    %dma_start3A_19 = tpu.memref_slice %arg7[%dma_start3A_17, %dma_start3A_18] : memref<80x128xi32, #tpu.memory_space<vmem>> -> memref<1x128xi32, #tpu.memory_space<vmem>>
    %dma_start3A_20 = tpu.memref_squeeze %dma_start3A_19 : memref<1x128xi32, #tpu.memory_space<vmem>> -> memref<128xi32, #tpu.memory_space<vmem>>
    %dma_start3A_21 = arith.constant 0 : i32
    %dma_start3A_22 = arith.constant 0 : i32
    %dma_start3A_23 = tpu.memref_slice %arg2[%dma_start3A_21, %dma_start3A_22] : memref<10000x80xi16, #tpu.memory_space<hbm>> -> memref<10000x80xi16, #tpu.memory_space<hbm>>
    tpu.enqueue_indirect_dma source(%dma_start3A_23 : memref<10000x80xi16, #tpu.memory_space<hbm>>) target(%arg10 : memref<128x80xi16, #tpu.memory_space<vmem>>) offsets(%dma_start3A_20 : memref<128xi32, #tpu.memory_space<vmem>>) semaphore(%arg15 : memref<!tpu.dma_semaphore, #tpu.memory_space<semaphore_mem>>)
    %dma_start3A_24 = arith.constant 2 : i32
    %dma_start3A_25 = arith.constant 0 : i32
    %dma_start3A_26 = tpu.memref_slice %arg7[%dma_start3A_24, %dma_start3A_25] : memref<80x128xi32, #tpu.memory_space<vmem>> -> memref<1x128xi32, #tpu.memory_space<vmem>>
    %dma_start3A_27 = tpu.memref_squeeze %dma_start3A_26 : memref<1x128xi32, #tpu.memory_space<vmem>> -> memref<128xi32, #tpu.memory_space<vmem>>
    %dma_start3A_28 = arith.constant 0 : i32
    %dma_start3A_29 = arith.constant 0 : i32
    %dma_start3A_30 = tpu.memref_slice %arg2[%dma_start3A_28, %dma_start3A_29] : memref<10000x80xi16, #tpu.memory_space<hbm>> -> memref<10000x80xi16, #tpu.memory_space<hbm>>
    tpu.enqueue_indirect_dma source(%dma_start3A_30 : memref<10000x80xi16, #tpu.memory_space<hbm>>) target(%arg11 : memref<128x80xi16, #tpu.memory_space<vmem>>) offsets(%dma_start3A_27 : memref<128xi32, #tpu.memory_space<vmem>>) semaphore(%arg16 : memref<!tpu.dma_semaphore, #tpu.memory_space<semaphore_mem>>)
    %dma_start3A_31 = arith.constant 3 : i32
    %dma_start3A_32 = arith.constant 0 : i32
    %dma_start3A_33 = tpu.memref_slice %arg7[%dma_start3A_31, %dma_start3A_32] : memref<80x128xi32, #tpu.memory_space<vmem>> -> memref<1x128xi32, #tpu.memory_space<vmem>>
    %dma_start3A_34 = tpu.memref_squeeze %dma_start3A_33 : memref<1x128xi32, #tpu.memory_space<vmem>> -> memref<128xi32, #tpu.memory_space<vmem>>
    %dma_start3A_35 = arith.constant 0 : i32
    %dma_start3A_36 = arith.constant 0 : i32
    %dma_start3A_37 = tpu.memref_slice %arg2[%dma_start3A_35, %dma_start3A_36] : memref<10000x80xi16, #tpu.memory_space<hbm>> -> memref<10000x80xi16, #tpu.memory_space<hbm>>
    tpu.enqueue_indirect_dma source(%dma_start3A_37 : memref<10000x80xi16, #tpu.memory_space<hbm>>) target(%arg12 : memref<128x80xi16, #tpu.memory_space<vmem>>) offsets(%dma_start3A_34 : memref<128xi32, #tpu.memory_space<vmem>>) semaphore(%arg17 : memref<!tpu.dma_semaphore, #tpu.memory_space<semaphore_mem>>)
    %scan3A = arith.constant 0 : i32
    %scan3A_38 = arith.constant 0 : i32
    %scan3A_39 = arith.constant 19 : i32
    %scan3A_40 = arith.addi %scan3A_38, %scan3A_39 : i32
    %scan3A_41 = arith.constant 1 : i32
    scf.for %scan3A_127 = %scan3A_38 to %scan3A_40 step %scan3A_41  : i32 {
      %mul3A_128 = arith.constant 4 : i32
      %mul3A_129 = arith.muli %mul3A_128, %scan3A_127 : i32
      %dma_wait3A_130 = arith.constant 0 : i32
      %dma_wait3A_131 = arith.constant 0 : i32
      %dma_wait3A_132 = tpu.memref_slice %arg7[%dma_wait3A_130, %dma_wait3A_131] : memref<80x128xi32, #tpu.memory_space<vmem>> -> memref<1x128xi32, #tpu.memory_space<vmem>>
      %dma_wait3A_133 = tpu.memref_squeeze %dma_wait3A_132 : memref<1x128xi32, #tpu.memory_space<vmem>> -> memref<128xi32, #tpu.memory_space<vmem>>
      %dma_wait3A_134 = arith.constant 0 : i32
      %dma_wait3A_135 = arith.constant 0 : i32
      %dma_wait3A_136 = tpu.memref_slice %arg2[%dma_wait3A_134, %dma_wait3A_135] : memref<10000x80xi16, #tpu.memory_space<hbm>> -> memref<10000x80xi16, #tpu.memory_space<hbm>>
      tpu.wait_indirect_dma semaphore(%arg14 : memref<!tpu.dma_semaphore, #tpu.memory_space<semaphore_mem>>) src(%dma_wait3A_136 : memref<10000x80xi16, #tpu.memory_space<hbm>>) dst(%arg9 : memref<128x80xi16, #tpu.memory_space<vmem>>)
      %add3A_137 = arith.constant 0 : i32
      %add3A_138 = arith.addi %mul3A_129, %add3A_137 : i32
      %dma_start3A_139 = arith.constant 0 : i32
      %dma_start3A_140 = tpu.memref_slice %arg8[%add3A_138, %dma_start3A_139] : memref<80x128xi32, #tpu.memory_space<vmem>> -> memref<1x128xi32, #tpu.memory_space<vmem>>
      %dma_start3A_141 = tpu.memref_squeeze %dma_start3A_140 : memref<1x128xi32, #tpu.memory_space<vmem>> -> memref<128xi32, #tpu.memory_space<vmem>>
      %dma_start3A_142 = arith.constant 0 : i32
      %dma_start3A_143 = arith.constant 0 : i32
      %dma_start3A_144 = tpu.memref_slice %arg13[%dma_start3A_142, %dma_start3A_143] : memref<10112x80xi16, #tpu.memory_space<vmem_shared>> -> memref<10112x80xi16, #tpu.memory_space<vmem_shared>>
      tpu.enqueue_indirect_dma source(%arg9 : memref<128x80xi16, #tpu.memory_space<vmem>>) target(%dma_start3A_144 : memref<10112x80xi16, #tpu.memory_space<vmem_shared>>) offsets(%dma_start3A_141 : memref<128xi32, #tpu.memory_space<vmem>>) semaphore(%arg18 : memref<!tpu.dma_semaphore, #tpu.memory_space<semaphore_mem>>) {add = true}
      %dma_wait3A_145 = arith.constant 0 : i32
      %dma_wait3A_146 = arith.constant 0 : i32
      %dma_wait3A_147 = tpu.memref_slice %arg7[%dma_wait3A_145, %dma_wait3A_146] : memref<80x128xi32, #tpu.memory_space<vmem>> -> memref<1x128xi32, #tpu.memory_space<vmem>>
      %dma_wait3A_148 = tpu.memref_squeeze %dma_wait3A_147 : memref<1x128xi32, #tpu.memory_space<vmem>> -> memref<128xi32, #tpu.memory_space<vmem>>
      %dma_wait3A_149 = arith.constant 0 : i32
      %dma_wait3A_150 = arith.constant 0 : i32
      %dma_wait3A_151 = tpu.memref_slice %arg2[%dma_wait3A_149, %dma_wait3A_150] : memref<10000x80xi16, #tpu.memory_space<hbm>> -> memref<10000x80xi16, #tpu.memory_space<hbm>>
      tpu.wait_indirect_dma semaphore(%arg15 : memref<!tpu.dma_semaphore, #tpu.memory_space<semaphore_mem>>) src(%dma_wait3A_151 : memref<10000x80xi16, #tpu.memory_space<hbm>>) dst(%arg10 : memref<128x80xi16, #tpu.memory_space<vmem>>)
      %add3A_152 = arith.constant 1 : i32
      %add3A_153 = arith.addi %mul3A_129, %add3A_152 : i32
      %dma_start3A_154 = arith.constant 0 : i32
      %dma_start3A_155 = tpu.memref_slice %arg8[%add3A_153, %dma_start3A_154] : memref<80x128xi32, #tpu.memory_space<vmem>> -> memref<1x128xi32, #tpu.memory_space<vmem>>
      %dma_start3A_156 = tpu.memref_squeeze %dma_start3A_155 : memref<1x128xi32, #tpu.memory_space<vmem>> -> memref<128xi32, #tpu.memory_space<vmem>>
      %dma_start3A_157 = arith.constant 0 : i32
      %dma_start3A_158 = arith.constant 0 : i32
      %dma_start3A_159 = tpu.memref_slice %arg13[%dma_start3A_157, %dma_start3A_158] : memref<10112x80xi16, #tpu.memory_space<vmem_shared>> -> memref<10112x80xi16, #tpu.memory_space<vmem_shared>>
      tpu.enqueue_indirect_dma source(%arg10 : memref<128x80xi16, #tpu.memory_space<vmem>>) target(%dma_start3A_159 : memref<10112x80xi16, #tpu.memory_space<vmem_shared>>) offsets(%dma_start3A_156 : memref<128xi32, #tpu.memory_space<vmem>>) semaphore(%arg19 : memref<!tpu.dma_semaphore, #tpu.memory_space<semaphore_mem>>) {add = true}
      %dma_wait3A_160 = arith.constant 0 : i32
      %dma_wait3A_161 = arith.constant 0 : i32
      %dma_wait3A_162 = tpu.memref_slice %arg7[%dma_wait3A_160, %dma_wait3A_161] : memref<80x128xi32, #tpu.memory_space<vmem>> -> memref<1x128xi32, #tpu.memory_space<vmem>>
      %dma_wait3A_163 = tpu.memref_squeeze %dma_wait3A_162 : memref<1x128xi32, #tpu.memory_space<vmem>> -> memref<128xi32, #tpu.memory_space<vmem>>
      %dma_wait3A_164 = arith.constant 0 : i32
      %dma_wait3A_165 = arith.constant 0 : i32
      %dma_wait3A_166 = tpu.memref_slice %arg2[%dma_wait3A_164, %dma_wait3A_165] : memref<10000x80xi16, #tpu.memory_space<hbm>> -> memref<10000x80xi16, #tpu.memory_space<hbm>>
      tpu.wait_indirect_dma semaphore(%arg16 : memref<!tpu.dma_semaphore, #tpu.memory_space<semaphore_mem>>) src(%dma_wait3A_166 : memref<10000x80xi16, #tpu.memory_space<hbm>>) dst(%arg11 : memref<128x80xi16, #tpu.memory_space<vmem>>)
      %add3A_167 = arith.constant 2 : i32
      %add3A_168 = arith.addi %mul3A_129, %add3A_167 : i32
      %dma_start3A_169 = arith.constant 0 : i32
      %dma_start3A_170 = tpu.memref_slice %arg8[%add3A_168, %dma_start3A_169] : memref<80x128xi32, #tpu.memory_space<vmem>> -> memref<1x128xi32, #tpu.memory_space<vmem>>
      %dma_start3A_171 = tpu.memref_squeeze %dma_start3A_170 : memref<1x128xi32, #tpu.memory_space<vmem>> -> memref<128xi32, #tpu.memory_space<vmem>>
      %dma_start3A_172 = arith.constant 0 : i32
      %dma_start3A_173 = arith.constant 0 : i32
      %dma_start3A_174 = tpu.memref_slice %arg13[%dma_start3A_172, %dma_start3A_173] : memref<10112x80xi16, #tpu.memory_space<vmem_shared>> -> memref<10112x80xi16, #tpu.memory_space<vmem_shared>>
      tpu.enqueue_indirect_dma source(%arg11 : memref<128x80xi16, #tpu.memory_space<vmem>>) target(%dma_start3A_174 : memref<10112x80xi16, #tpu.memory_space<vmem_shared>>) offsets(%dma_start3A_171 : memref<128xi32, #tpu.memory_space<vmem>>) semaphore(%arg20 : memref<!tpu.dma_semaphore, #tpu.memory_space<semaphore_mem>>) {add = true}
      %dma_wait3A_175 = arith.constant 0 : i32
      %dma_wait3A_176 = arith.constant 0 : i32
      %dma_wait3A_177 = tpu.memref_slice %arg7[%dma_wait3A_175, %dma_wait3A_176] : memref<80x128xi32, #tpu.memory_space<vmem>> -> memref<1x128xi32, #tpu.memory_space<vmem>>
      %dma_wait3A_178 = tpu.memref_squeeze %dma_wait3A_177 : memref<1x128xi32, #tpu.memory_space<vmem>> -> memref<128xi32, #tpu.memory_space<vmem>>
      %dma_wait3A_179 = arith.constant 0 : i32
      %dma_wait3A_180 = arith.constant 0 : i32
      %dma_wait3A_181 = tpu.memref_slice %arg2[%dma_wait3A_179, %dma_wait3A_180] : memref<10000x80xi16, #tpu.memory_space<hbm>> -> memref<10000x80xi16, #tpu.memory_space<hbm>>
      tpu.wait_indirect_dma semaphore(%arg17 : memref<!tpu.dma_semaphore, #tpu.memory_space<semaphore_mem>>) src(%dma_wait3A_181 : memref<10000x80xi16, #tpu.memory_space<hbm>>) dst(%arg12 : memref<128x80xi16, #tpu.memory_space<vmem>>)
      %add3A_182 = arith.constant 3 : i32
      %add3A_183 = arith.addi %mul3A_129, %add3A_182 : i32
      %dma_start3A_184 = arith.constant 0 : i32
      %dma_start3A_185 = tpu.memref_slice %arg8[%add3A_183, %dma_start3A_184] : memref<80x128xi32, #tpu.memory_space<vmem>> -> memref<1x128xi32, #tpu.memory_space<vmem>>
      %dma_start3A_186 = tpu.memref_squeeze %dma_start3A_185 : memref<1x128xi32, #tpu.memory_space<vmem>> -> memref<128xi32, #tpu.memory_space<vmem>>
      %dma_start3A_187 = arith.constant 0 : i32
      %dma_start3A_188 = arith.constant 0 : i32
      %dma_start3A_189 = tpu.memref_slice %arg13[%dma_start3A_187, %dma_start3A_188] : memref<10112x80xi16, #tpu.memory_space<vmem_shared>> -> memref<10112x80xi16, #tpu.memory_space<vmem_shared>>
      tpu.enqueue_indirect_dma source(%arg12 : memref<128x80xi16, #tpu.memory_space<vmem>>) target(%dma_start3A_189 : memref<10112x80xi16, #tpu.memory_space<vmem_shared>>) offsets(%dma_start3A_186 : memref<128xi32, #tpu.memory_space<vmem>>) semaphore(%arg21 : memref<!tpu.dma_semaphore, #tpu.memory_space<semaphore_mem>>) {add = true}
      %dma_wait3A_190 = arith.constant 0 : i32
      %dma_wait3A_191 = arith.constant 0 : i32
      %dma_wait3A_192 = tpu.memref_slice %arg8[%dma_wait3A_190, %dma_wait3A_191] : memref<80x128xi32, #tpu.memory_space<vmem>> -> memref<1x128xi32, #tpu.memory_space<vmem>>
      %dma_wait3A_193 = tpu.memref_squeeze %dma_wait3A_192 : memref<1x128xi32, #tpu.memory_space<vmem>> -> memref<128xi32, #tpu.memory_space<vmem>>
      %dma_wait3A_194 = arith.constant 0 : i32
      %dma_wait3A_195 = arith.constant 0 : i32
      %dma_wait3A_196 = tpu.memref_slice %arg13[%dma_wait3A_194, %dma_wait3A_195] : memref<10112x80xi16, #tpu.memory_space<vmem_shared>> -> memref<10112x80xi16, #tpu.memory_space<vmem_shared>>
      tpu.wait_indirect_dma semaphore(%arg18 : memref<!tpu.dma_semaphore, #tpu.memory_space<semaphore_mem>>) src(%arg9 : memref<128x80xi16, #tpu.memory_space<vmem>>) dst(%dma_wait3A_196 : memref<10112x80xi16, #tpu.memory_space<vmem_shared>>)
      %add3A_197 = arith.constant 4 : i32
      %add3A_198 = arith.addi %mul3A_129, %add3A_197 : i32
      %add3A_199 = arith.constant 0 : i32
      %add3A_200 = arith.addi %add3A_198, %add3A_199 : i32
      %dma_start3A_201 = arith.constant 0 : i32
      %dma_start3A_202 = tpu.memref_slice %arg7[%add3A_200, %dma_start3A_201] : memref<80x128xi32, #tpu.memory_space<vmem>> -> memref<1x128xi32, #tpu.memory_space<vmem>>
      %dma_start3A_203 = tpu.memref_squeeze %dma_start3A_202 : memref<1x128xi32, #tpu.memory_space<vmem>> -> memref<128xi32, #tpu.memory_space<vmem>>
      %dma_start3A_204 = arith.constant 0 : i32
      %dma_start3A_205 = arith.constant 0 : i32
      %dma_start3A_206 = tpu.memref_slice %arg2[%dma_start3A_204, %dma_start3A_205] : memref<10000x80xi16, #tpu.memory_space<hbm>> -> memref<10000x80xi16, #tpu.memory_space<hbm>>
      tpu.enqueue_indirect_dma source(%dma_start3A_206 : memref<10000x80xi16, #tpu.memory_space<hbm>>) target(%arg9 : memref<128x80xi16, #tpu.memory_space<vmem>>) offsets(%dma_start3A_203 : memref<128xi32, #tpu.memory_space<vmem>>) semaphore(%arg14 : memref<!tpu.dma_semaphore, #tpu.memory_space<semaphore_mem>>)
      %dma_wait3A_207 = arith.constant 0 : i32
      %dma_wait3A_208 = arith.constant 0 : i32
      %dma_wait3A_209 = tpu.memref_slice %arg8[%dma_wait3A_207, %dma_wait3A_208] : memref<80x128xi32, #tpu.memory_space<vmem>> -> memref<1x128xi32, #tpu.memory_space<vmem>>
      %dma_wait3A_210 = tpu.memref_squeeze %dma_wait3A_209 : memref<1x128xi32, #tpu.memory_space<vmem>> -> memref<128xi32, #tpu.memory_space<vmem>>
      %dma_wait3A_211 = arith.constant 0 : i32
      %dma_wait3A_212 = arith.constant 0 : i32
      %dma_wait3A_213 = tpu.memref_slice %arg13[%dma_wait3A_211, %dma_wait3A_212] : memref<10112x80xi16, #tpu.memory_space<vmem_shared>> -> memref<10112x80xi16, #tpu.memory_space<vmem_shared>>
      tpu.wait_indirect_dma semaphore(%arg19 : memref<!tpu.dma_semaphore, #tpu.memory_space<semaphore_mem>>) src(%arg10 : memref<128x80xi16, #tpu.memory_space<vmem>>) dst(%dma_wait3A_213 : memref<10112x80xi16, #tpu.memory_space<vmem_shared>>)
      %add3A_214 = arith.constant 4 : i32
      %add3A_215 = arith.addi %mul3A_129, %add3A_214 : i32
      %add3A_216 = arith.constant 1 : i32
      %add3A_217 = arith.addi %add3A_215, %add3A_216 : i32
      %dma_start3A_218 = arith.constant 0 : i32
      %dma_start3A_219 = tpu.memref_slice %arg7[%add3A_217, %dma_start3A_218] : memref<80x128xi32, #tpu.memory_space<vmem>> -> memref<1x128xi32, #tpu.memory_space<vmem>>
      %dma_start3A_220 = tpu.memref_squeeze %dma_start3A_219 : memref<1x128xi32, #tpu.memory_space<vmem>> -> memref<128xi32, #tpu.memory_space<vmem>>
      %dma_start3A_221 = arith.constant 0 : i32
      %dma_start3A_222 = arith.constant 0 : i32
      %dma_start3A_223 = tpu.memref_slice %arg2[%dma_start3A_221, %dma_start3A_222] : memref<10000x80xi16, #tpu.memory_space<hbm>> -> memref<10000x80xi16, #tpu.memory_space<hbm>>
      tpu.enqueue_indirect_dma source(%dma_start3A_223 : memref<10000x80xi16, #tpu.memory_space<hbm>>) target(%arg10 : memref<128x80xi16, #tpu.memory_space<vmem>>) offsets(%dma_start3A_220 : memref<128xi32, #tpu.memory_space<vmem>>) semaphore(%arg15 : memref<!tpu.dma_semaphore, #tpu.memory_space<semaphore_mem>>)
      %dma_wait3A_224 = arith.constant 0 : i32
      %dma_wait3A_225 = arith.constant 0 : i32
      %dma_wait3A_226 = tpu.memref_slice %arg8[%dma_wait3A_224, %dma_wait3A_225] : memref<80x128xi32, #tpu.memory_space<vmem>> -> memref<1x128xi32, #tpu.memory_space<vmem>>
      %dma_wait3A_227 = tpu.memref_squeeze %dma_wait3A_226 : memref<1x128xi32, #tpu.memory_space<vmem>> -> memref<128xi32, #tpu.memory_space<vmem>>
      %dma_wait3A_228 = arith.constant 0 : i32
      %dma_wait3A_229 = arith.constant 0 : i32
      %dma_wait3A_230 = tpu.memref_slice %arg13[%dma_wait3A_228, %dma_wait3A_229] : memref<10112x80xi16, #tpu.memory_space<vmem_shared>> -> memref<10112x80xi16, #tpu.memory_space<vmem_shared>>
      tpu.wait_indirect_dma semaphore(%arg20 : memref<!tpu.dma_semaphore, #tpu.memory_space<semaphore_mem>>) src(%arg11 : memref<128x80xi16, #tpu.memory_space<vmem>>) dst(%dma_wait3A_230 : memref<10112x80xi16, #tpu.memory_space<vmem_shared>>)
      %add3A_231 = arith.constant 4 : i32
      %add3A_232 = arith.addi %mul3A_129, %add3A_231 : i32
      %add3A_233 = arith.constant 2 : i32
      %add3A_234 = arith.addi %add3A_232, %add3A_233 : i32
      %dma_start3A_235 = arith.constant 0 : i32
      %dma_start3A_236 = tpu.memref_slice %arg7[%add3A_234, %dma_start3A_235] : memref<80x128xi32, #tpu.memory_space<vmem>> -> memref<1x128xi32, #tpu.memory_space<vmem>>
      %dma_start3A_237 = tpu.memref_squeeze %dma_start3A_236 : memref<1x128xi32, #tpu.memory_space<vmem>> -> memref<128xi32, #tpu.memory_space<vmem>>
      %dma_start3A_238 = arith.constant 0 : i32
      %dma_start3A_239 = arith.constant 0 : i32
      %dma_start3A_240 = tpu.memref_slice %arg2[%dma_start3A_238, %dma_start3A_239] : memref<10000x80xi16, #tpu.memory_space<hbm>> -> memref<10000x80xi16, #tpu.memory_space<hbm>>
      tpu.enqueue_indirect_dma source(%dma_start3A_240 : memref<10000x80xi16, #tpu.memory_space<hbm>>) target(%arg11 : memref<128x80xi16, #tpu.memory_space<vmem>>) offsets(%dma_start3A_237 : memref<128xi32, #tpu.memory_space<vmem>>) semaphore(%arg16 : memref<!tpu.dma_semaphore, #tpu.memory_space<semaphore_mem>>)
      %dma_wait3A_241 = arith.constant 0 : i32
      %dma_wait3A_242 = arith.constant 0 : i32
      %dma_wait3A_243 = tpu.memref_slice %arg8[%dma_wait3A_241, %dma_wait3A_242] : memref<80x128xi32, #tpu.memory_space<vmem>> -> memref<1x128xi32, #tpu.memory_space<vmem>>
      %dma_wait3A_244 = tpu.memref_squeeze %dma_wait3A_243 : memref<1x128xi32, #tpu.memory_space<vmem>> -> memref<128xi32, #tpu.memory_space<vmem>>
      %dma_wait3A_245 = arith.constant 0 : i32
      %dma_wait3A_246 = arith.constant 0 : i32
      %dma_wait3A_247 = tpu.memref_slice %arg13[%dma_wait3A_245, %dma_wait3A_246] : memref<10112x80xi16, #tpu.memory_space<vmem_shared>> -> memref<10112x80xi16, #tpu.memory_space<vmem_shared>>
      tpu.wait_indirect_dma semaphore(%arg21 : memref<!tpu.dma_semaphore, #tpu.memory_space<semaphore_mem>>) src(%arg12 : memref<128x80xi16, #tpu.memory_space<vmem>>) dst(%dma_wait3A_247 : memref<10112x80xi16, #tpu.memory_space<vmem_shared>>)
      %add3A_248 = arith.constant 4 : i32
      %add3A_249 = arith.addi %mul3A_129, %add3A_248 : i32
      %add3A_250 = arith.constant 3 : i32
      %add3A_251 = arith.addi %add3A_249, %add3A_250 : i32
      %dma_start3A_252 = arith.constant 0 : i32
      %dma_start3A_253 = tpu.memref_slice %arg7[%add3A_251, %dma_start3A_252] : memref<80x128xi32, #tpu.memory_space<vmem>> -> memref<1x128xi32, #tpu.memory_space<vmem>>
      %dma_start3A_254 = tpu.memref_squeeze %dma_start3A_253 : memref<1x128xi32, #tpu.memory_space<vmem>> -> memref<128xi32, #tpu.memory_space<vmem>>
      %dma_start3A_255 = arith.constant 0 : i32
      %dma_start3A_256 = arith.constant 0 : i32
      %dma_start3A_257 = tpu.memref_slice %arg2[%dma_start3A_255, %dma_start3A_256] : memref<10000x80xi16, #tpu.memory_space<hbm>> -> memref<10000x80xi16, #tpu.memory_space<hbm>>
      tpu.enqueue_indirect_dma source(%dma_start3A_257 : memref<10000x80xi16, #tpu.memory_space<hbm>>) target(%arg12 : memref<128x80xi16, #tpu.memory_space<vmem>>) offsets(%dma_start3A_254 : memref<128xi32, #tpu.memory_space<vmem>>) semaphore(%arg17 : memref<!tpu.dma_semaphore, #tpu.memory_space<semaphore_mem>>)
    }
    %scan3A_42 = arith.constant 19 : i32
    %dma_wait3A = arith.constant 0 : i32
    %dma_wait3A_43 = arith.constant 0 : i32
    %dma_wait3A_44 = tpu.memref_slice %arg7[%dma_wait3A, %dma_wait3A_43] : memref<80x128xi32, #tpu.memory_space<vmem>> -> memref<1x128xi32, #tpu.memory_space<vmem>>
    %dma_wait3A_45 = tpu.memref_squeeze %dma_wait3A_44 : memref<1x128xi32, #tpu.memory_space<vmem>> -> memref<128xi32, #tpu.memory_space<vmem>>
    %dma_wait3A_46 = arith.constant 0 : i32
    %dma_wait3A_47 = arith.constant 0 : i32
    %dma_wait3A_48 = tpu.memref_slice %arg2[%dma_wait3A_46, %dma_wait3A_47] : memref<10000x80xi16, #tpu.memory_space<hbm>> -> memref<10000x80xi16, #tpu.memory_space<hbm>>
    tpu.wait_indirect_dma semaphore(%arg14 : memref<!tpu.dma_semaphore, #tpu.memory_space<semaphore_mem>>) src(%dma_wait3A_48 : memref<10000x80xi16, #tpu.memory_space<hbm>>) dst(%arg9 : memref<128x80xi16, #tpu.memory_space<vmem>>)
    %dma_start3A_49 = arith.constant 76 : i32
    %dma_start3A_50 = arith.constant 0 : i32
    %dma_start3A_51 = tpu.memref_slice %arg8[%dma_start3A_49, %dma_start3A_50] : memref<80x128xi32, #tpu.memory_space<vmem>> -> memref<1x128xi32, #tpu.memory_space<vmem>>
    %dma_start3A_52 = tpu.memref_squeeze %dma_start3A_51 : memref<1x128xi32, #tpu.memory_space<vmem>> -> memref<128xi32, #tpu.memory_space<vmem>>
    %dma_start3A_53 = arith.constant 0 : i32
    %dma_start3A_54 = arith.constant 0 : i32
    %dma_start3A_55 = tpu.memref_slice %arg13[%dma_start3A_53, %dma_start3A_54] : memref<10112x80xi16, #tpu.memory_space<vmem_shared>> -> memref<10112x80xi16, #tpu.memory_space<vmem_shared>>
    tpu.enqueue_indirect_dma source(%arg9 : memref<128x80xi16, #tpu.memory_space<vmem>>) target(%dma_start3A_55 : memref<10112x80xi16, #tpu.memory_space<vmem_shared>>) offsets(%dma_start3A_52 : memref<128xi32, #tpu.memory_space<vmem>>) semaphore(%arg18 : memref<!tpu.dma_semaphore, #tpu.memory_space<semaphore_mem>>) {add = true}
    %dma_wait3A_56 = arith.constant 0 : i32
    %dma_wait3A_57 = arith.constant 0 : i32
    %dma_wait3A_58 = tpu.memref_slice %arg7[%dma_wait3A_56, %dma_wait3A_57] : memref<80x128xi32, #tpu.memory_space<vmem>> -> memref<1x128xi32, #tpu.memory_space<vmem>>
    %dma_wait3A_59 = tpu.memref_squeeze %dma_wait3A_58 : memref<1x128xi32, #tpu.memory_space<vmem>> -> memref<128xi32, #tpu.memory_space<vmem>>
    %dma_wait3A_60 = arith.constant 0 : i32
    %dma_wait3A_61 = arith.constant 0 : i32
    %dma_wait3A_62 = tpu.memref_slice %arg2[%dma_wait3A_60, %dma_wait3A_61] : memref<10000x80xi16, #tpu.memory_space<hbm>> -> memref<10000x80xi16, #tpu.memory_space<hbm>>
    tpu.wait_indirect_dma semaphore(%arg15 : memref<!tpu.dma_semaphore, #tpu.memory_space<semaphore_mem>>) src(%dma_wait3A_62 : memref<10000x80xi16, #tpu.memory_space<hbm>>) dst(%arg10 : memref<128x80xi16, #tpu.memory_space<vmem>>)
    %dma_start3A_63 = arith.constant 77 : i32
    %dma_start3A_64 = arith.constant 0 : i32
    %dma_start3A_65 = tpu.memref_slice %arg8[%dma_start3A_63, %dma_start3A_64] : memref<80x128xi32, #tpu.memory_space<vmem>> -> memref<1x128xi32, #tpu.memory_space<vmem>>
    %dma_start3A_66 = tpu.memref_squeeze %dma_start3A_65 : memref<1x128xi32, #tpu.memory_space<vmem>> -> memref<128xi32, #tpu.memory_space<vmem>>
    %dma_start3A_67 = arith.constant 0 : i32
    %dma_start3A_68 = arith.constant 0 : i32
    %dma_start3A_69 = tpu.memref_slice %arg13[%dma_start3A_67, %dma_start3A_68] : memref<10112x80xi16, #tpu.memory_space<vmem_shared>> -> memref<10112x80xi16, #tpu.memory_space<vmem_shared>>
    tpu.enqueue_indirect_dma source(%arg10 : memref<128x80xi16, #tpu.memory_space<vmem>>) target(%dma_start3A_69 : memref<10112x80xi16, #tpu.memory_space<vmem_shared>>) offsets(%dma_start3A_66 : memref<128xi32, #tpu.memory_space<vmem>>) semaphore(%arg19 : memref<!tpu.dma_semaphore, #tpu.memory_space<semaphore_mem>>) {add = true}
    %dma_wait3A_70 = arith.constant 0 : i32
    %dma_wait3A_71 = arith.constant 0 : i32
    %dma_wait3A_72 = tpu.memref_slice %arg7[%dma_wait3A_70, %dma_wait3A_71] : memref<80x128xi32, #tpu.memory_space<vmem>> -> memref<1x128xi32, #tpu.memory_space<vmem>>
    %dma_wait3A_73 = tpu.memref_squeeze %dma_wait3A_72 : memref<1x128xi32, #tpu.memory_space<vmem>> -> memref<128xi32, #tpu.memory_space<vmem>>
    %dma_wait3A_74 = arith.constant 0 : i32
    %dma_wait3A_75 = arith.constant 0 : i32
    %dma_wait3A_76 = tpu.memref_slice %arg2[%dma_wait3A_74, %dma_wait3A_75] : memref<10000x80xi16, #tpu.memory_space<hbm>> -> memref<10000x80xi16, #tpu.memory_space<hbm>>
    tpu.wait_indirect_dma semaphore(%arg16 : memref<!tpu.dma_semaphore, #tpu.memory_space<semaphore_mem>>) src(%dma_wait3A_76 : memref<10000x80xi16, #tpu.memory_space<hbm>>) dst(%arg11 : memref<128x80xi16, #tpu.memory_space<vmem>>)
    %dma_start3A_77 = arith.constant 78 : i32
    %dma_start3A_78 = arith.constant 0 : i32
    %dma_start3A_79 = tpu.memref_slice %arg8[%dma_start3A_77, %dma_start3A_78] : memref<80x128xi32, #tpu.memory_space<vmem>> -> memref<1x128xi32, #tpu.memory_space<vmem>>
    %dma_start3A_80 = tpu.memref_squeeze %dma_start3A_79 : memref<1x128xi32, #tpu.memory_space<vmem>> -> memref<128xi32, #tpu.memory_space<vmem>>
    %dma_start3A_81 = arith.constant 0 : i32
    %dma_start3A_82 = arith.constant 0 : i32
    %dma_start3A_83 = tpu.memref_slice %arg13[%dma_start3A_81, %dma_start3A_82] : memref<10112x80xi16, #tpu.memory_space<vmem_shared>> -> memref<10112x80xi16, #tpu.memory_space<vmem_shared>>
    tpu.enqueue_indirect_dma source(%arg11 : memref<128x80xi16, #tpu.memory_space<vmem>>) target(%dma_start3A_83 : memref<10112x80xi16, #tpu.memory_space<vmem_shared>>) offsets(%dma_start3A_80 : memref<128xi32, #tpu.memory_space<vmem>>) semaphore(%arg20 : memref<!tpu.dma_semaphore, #tpu.memory_space<semaphore_mem>>) {add = true}
    %dma_wait3A_84 = arith.constant 0 : i32
    %dma_wait3A_85 = arith.constant 0 : i32
    %dma_wait3A_86 = tpu.memref_slice %arg7[%dma_wait3A_84, %dma_wait3A_85] : memref<80x128xi32, #tpu.memory_space<vmem>> -> memref<1x128xi32, #tpu.memory_space<vmem>>
    %dma_wait3A_87 = tpu.memref_squeeze %dma_wait3A_86 : memref<1x128xi32, #tpu.memory_space<vmem>> -> memref<128xi32, #tpu.memory_space<vmem>>
    %dma_wait3A_88 = arith.constant 0 : i32
    %dma_wait3A_89 = arith.constant 0 : i32
    %dma_wait3A_90 = tpu.memref_slice %arg2[%dma_wait3A_88, %dma_wait3A_89] : memref<10000x80xi16, #tpu.memory_space<hbm>> -> memref<10000x80xi16, #tpu.memory_space<hbm>>
    tpu.wait_indirect_dma semaphore(%arg17 : memref<!tpu.dma_semaphore, #tpu.memory_space<semaphore_mem>>) src(%dma_wait3A_90 : memref<10000x80xi16, #tpu.memory_space<hbm>>) dst(%arg12 : memref<128x80xi16, #tpu.memory_space<vmem>>)
    %dma_start3A_91 = arith.constant 79 : i32
    %dma_start3A_92 = arith.constant 0 : i32
    %dma_start3A_93 = tpu.memref_slice %arg8[%dma_start3A_91, %dma_start3A_92] : memref<80x128xi32, #tpu.memory_space<vmem>> -> memref<1x128xi32, #tpu.memory_space<vmem>>
    %dma_start3A_94 = tpu.memref_squeeze %dma_start3A_93 : memref<1x128xi32, #tpu.memory_space<vmem>> -> memref<128xi32, #tpu.memory_space<vmem>>
    %dma_start3A_95 = arith.constant 0 : i32
    %dma_start3A_96 = arith.constant 0 : i32
    %dma_start3A_97 = tpu.memref_slice %arg13[%dma_start3A_95, %dma_start3A_96] : memref<10112x80xi16, #tpu.memory_space<vmem_shared>> -> memref<10112x80xi16, #tpu.memory_space<vmem_shared>>
    tpu.enqueue_indirect_dma source(%arg12 : memref<128x80xi16, #tpu.memory_space<vmem>>) target(%dma_start3A_97 : memref<10112x80xi16, #tpu.memory_space<vmem_shared>>) offsets(%dma_start3A_94 : memref<128xi32, #tpu.memory_space<vmem>>) semaphore(%arg21 : memref<!tpu.dma_semaphore, #tpu.memory_space<semaphore_mem>>) {add = true}
    %dma_wait3A_98 = arith.constant 0 : i32
    %dma_wait3A_99 = arith.constant 0 : i32
    %dma_wait3A_100 = tpu.memref_slice %arg8[%dma_wait3A_98, %dma_wait3A_99] : memref<80x128xi32, #tpu.memory_space<vmem>> -> memref<1x128xi32, #tpu.memory_space<vmem>>
    %dma_wait3A_101 = tpu.memref_squeeze %dma_wait3A_100 : memref<1x128xi32, #tpu.memory_space<vmem>> -> memref<128xi32, #tpu.memory_space<vmem>>
    %dma_wait3A_102 = arith.constant 0 : i32
    %dma_wait3A_103 = arith.constant 0 : i32
    %dma_wait3A_104 = tpu.memref_slice %arg13[%dma_wait3A_102, %dma_wait3A_103] : memref<10112x80xi16, #tpu.memory_space<vmem_shared>> -> memref<10112x80xi16, #tpu.memory_space<vmem_shared>>
    tpu.wait_indirect_dma semaphore(%arg18 : memref<!tpu.dma_semaphore, #tpu.memory_space<semaphore_mem>>) src(%arg9 : memref<128x80xi16, #tpu.memory_space<vmem>>) dst(%dma_wait3A_104 : memref<10112x80xi16, #tpu.memory_space<vmem_shared>>)
    %dma_wait3A_105 = arith.constant 0 : i32
    %dma_wait3A_106 = arith.constant 0 : i32
    %dma_wait3A_107 = tpu.memref_slice %arg8[%dma_wait3A_105, %dma_wait3A_106] : memref<80x128xi32, #tpu.memory_space<vmem>> -> memref<1x128xi32, #tpu.memory_space<vmem>>
    %dma_wait3A_108 = tpu.memref_squeeze %dma_wait3A_107 : memref<1x128xi32, #tpu.memory_space<vmem>> -> memref<128xi32, #tpu.memory_space<vmem>>
    %dma_wait3A_109 = arith.constant 0 : i32
    %dma_wait3A_110 = arith.constant 0 : i32
    %dma_wait3A_111 = tpu.memref_slice %arg13[%dma_wait3A_109, %dma_wait3A_110] : memref<10112x80xi16, #tpu.memory_space<vmem_shared>> -> memref<10112x80xi16, #tpu.memory_space<vmem_shared>>
    tpu.wait_indirect_dma semaphore(%arg19 : memref<!tpu.dma_semaphore, #tpu.memory_space<semaphore_mem>>) src(%arg10 : memref<128x80xi16, #tpu.memory_space<vmem>>) dst(%dma_wait3A_111 : memref<10112x80xi16, #tpu.memory_space<vmem_shared>>)
    %dma_wait3A_112 = arith.constant 0 : i32
    %dma_wait3A_113 = arith.constant 0 : i32
    %dma_wait3A_114 = tpu.memref_slice %arg8[%dma_wait3A_112, %dma_wait3A_113] : memref<80x128xi32, #tpu.memory_space<vmem>> -> memref<1x128xi32, #tpu.memory_space<vmem>>
    %dma_wait3A_115 = tpu.memref_squeeze %dma_wait3A_114 : memref<1x128xi32, #tpu.memory_space<vmem>> -> memref<128xi32, #tpu.memory_space<vmem>>
    %dma_wait3A_116 = arith.constant 0 : i32
    %dma_wait3A_117 = arith.constant 0 : i32
    %dma_wait3A_118 = tpu.memref_slice %arg13[%dma_wait3A_116, %dma_wait3A_117] : memref<10112x80xi16, #tpu.memory_space<vmem_shared>> -> memref<10112x80xi16, #tpu.memory_space<vmem_shared>>
    tpu.wait_indirect_dma semaphore(%arg20 : memref<!tpu.dma_semaphore, #tpu.memory_space<semaphore_mem>>) src(%arg11 : memref<128x80xi16, #tpu.memory_space<vmem>>) dst(%dma_wait3A_118 : memref<10112x80xi16, #tpu.memory_space<vmem_shared>>)
    %dma_wait3A_119 = arith.constant 0 : i32
    %dma_wait3A_120 = arith.constant 0 : i32
    %dma_wait3A_121 = tpu.memref_slice %arg8[%dma_wait3A_119, %dma_wait3A_120] : memref<80x128xi32, #tpu.memory_space<vmem>> -> memref<1x128xi32, #tpu.memory_space<vmem>>
    %dma_wait3A_122 = tpu.memref_squeeze %dma_wait3A_121 : memref<1x128xi32, #tpu.memory_space<vmem>> -> memref<128xi32, #tpu.memory_space<vmem>>
    %dma_wait3A_123 = arith.constant 0 : i32
    %dma_wait3A_124 = arith.constant 0 : i32
    %dma_wait3A_125 = tpu.memref_slice %arg13[%dma_wait3A_123, %dma_wait3A_124] : memref<10112x80xi16, #tpu.memory_space<vmem_shared>> -> memref<10112x80xi16, #tpu.memory_space<vmem_shared>>
    tpu.wait_indirect_dma semaphore(%arg21 : memref<!tpu.dma_semaphore, #tpu.memory_space<semaphore_mem>>) src(%arg12 : memref<128x80xi16, #tpu.memory_space<vmem>>) dst(%dma_wait3A_125 : memref<10112x80xi16, #tpu.memory_space<vmem_shared>>)
    %barrier3A_126 = arith.constant 0 : index
    tpu.barrier barrier_id(%barrier3A_126)
    "tpu.region"() ({
      %run_scoped3A = tpu.sem_alloc : memref<!tpu.dma_semaphore, #tpu.memory_space<semaphore_mem>>
      %dma_start3A_127 = arith.constant 0 : i32
      %dma_start3A_128 = tpu.memref_slice %arg6[%arg0, %mul3A_2, %dma_start3A_127] : memref<2x10112x80xi16, #tpu.memory_space<hbm>> -> memref<1x632x80xi16, #tpu.memory_space<hbm>>
      %dma_start3A_129 = tpu.memref_squeeze %dma_start3A_128 : memref<1x632x80xi16, #tpu.memory_space<hbm>> -> memref<632x80xi16, #tpu.memory_space<hbm>>
      %dma_start3A_130 = arith.constant 0 : i32
      %dma_start3A_131 = tpu.memref_slice %arg13[%mul3A_2, %dma_start3A_130] : memref<10112x80xi16, #tpu.memory_space<vmem_shared>> -> memref<632x80xi16, #tpu.memory_space<vmem_shared>>
      tpu.enqueue_dma source(%dma_start3A_131 : memref<632x80xi16, #tpu.memory_space<vmem_shared>>) target(%dma_start3A_129 : memref<632x80xi16, #tpu.memory_space<hbm>>) target_semaphore(%run_scoped3A : memref<!tpu.dma_semaphore, #tpu.memory_space<semaphore_mem>>)
      %dma_wait3A_132 = arith.constant 0 : i32
      %dma_wait3A_133 = tpu.memref_slice %arg6[%arg0, %mul3A_2, %dma_wait3A_132] : memref<2x10112x80xi16, #tpu.memory_space<hbm>> -> memref<1x632x80xi16, #tpu.memory_space<hbm>>
      %dma_wait3A_134 = tpu.memref_squeeze %dma_wait3A_133 : memref<1x632x80xi16, #tpu.memory_space<hbm>> -> memref<632x80xi16, #tpu.memory_space<hbm>>
      %dma_wait3A_135 = arith.constant 0 : i32
      %dma_wait3A_136 = tpu.memref_slice %arg13[%mul3A_2, %dma_wait3A_135] : memref<10112x80xi16, #tpu.memory_space<vmem_shared>> -> memref<632x80xi16, #tpu.memory_space<vmem_shared>>
      tpu.wait_dma2 semaphore(%run_scoped3A : memref<!tpu.dma_semaphore, #tpu.memory_space<semaphore_mem>>) src(%dma_wait3A_136 : memref<632x80xi16, #tpu.memory_space<vmem_shared>>) dst(%dma_wait3A_134 : memref<632x80xi16, #tpu.memory_space<hbm>>)
      tpu.yield
    }) : () -> ()
    return
  }
}

#map = affine_map<(d0, d1) -> (0, 0)>
#map1 = affine_map<(d0, d1) -> (0, 0, 0)>
module attributes {stable_mosaic.version = 14 : i64} {
  func.func @sc_segsum_48(%arg0: i32, %arg1: i32, %arg2: memref<10000x48xi16, #tpu.memory_space<hbm>>, %arg3: memref<2x2500x128xi32, #tpu.memory_space<hbm>>, %arg4: memref<2x60x128xi32, #tpu.memory_space<hbm>>, %arg5: memref<632x48xi16, #tpu.memory_space<hbm>>, %arg6: memref<2x10112x48xi16, #tpu.memory_space<hbm>>, %arg7: memref<80x128xi32, #tpu.memory_space<vmem>>, %arg8: memref<80x128xi32, #tpu.memory_space<vmem>>, %arg9: memref<128x48xi16, #tpu.memory_space<vmem>>, %arg10: memref<128x48xi16, #tpu.memory_space<vmem>>, %arg11: memref<128x48xi16, #tpu.memory_space<vmem>>, %arg12: memref<128x48xi16, #tpu.memory_space<vmem>>, %arg13: memref<10112x48xi16, #tpu.memory_space<vmem_shared>>, %arg14: memref<!tpu.dma_semaphore, #tpu.memory_space<semaphore_mem>>, %arg15: memref<!tpu.dma_semaphore, #tpu.memory_space<semaphore_mem>>, %arg16: memref<!tpu.dma_semaphore, #tpu.memory_space<semaphore_mem>>, %arg17: memref<!tpu.dma_semaphore, #tpu.memory_space<semaphore_mem>>, %arg18: memref<!tpu.dma_semaphore, #tpu.memory_space<semaphore_mem>>, %arg19: memref<!tpu.dma_semaphore, #tpu.memory_space<semaphore_mem>>, %arg20: memref<!tpu.dma_semaphore, #tpu.memory_space<semaphore_mem>>, %arg21: memref<!tpu.dma_semaphore, #tpu.memory_space<semaphore_mem>>) attributes {dimension_semantics = [#tpu.dimension_semantics<core_parallel>, #tpu.dimension_semantics<subcore_parallel>], iteration_bounds = array<i64: 2, 16>, scalar_prefetch = 0 : i64, scratch_operands = 15 : i64, tpu.core_type = #tpu.core_type<sc_vector_subcore>, window_params = [{transform_indices = #map}, {transform_indices = #map1}, {transform_indices = #map1}, {transform_indices = #map}, {transform_indices = #map1}]} {
    %mul3A = arith.constant 16 : i32
    %mul3A_0 = arith.muli %arg0, %mul3A : i32
    %add3A = arith.addi %mul3A_0, %arg1 : i32
    %mul3A_1 = arith.constant 632 : i32
    %mul3A_2 = arith.muli %arg1, %mul3A_1 : i32
    "tpu.region"() ({
      %run_scoped3A = tpu.sem_alloc : memref<!tpu.dma_semaphore, #tpu.memory_space<semaphore_mem>>
      %dma_start3A_127 = arith.constant 0 : i32
      %dma_start3A_128 = tpu.memref_slice %arg13[%mul3A_2, %dma_start3A_127] : memref<10112x48xi16, #tpu.memory_space<vmem_shared>> -> memref<632x48xi16, #tpu.memory_space<vmem_shared>>
      tpu.enqueue_dma source(%arg5 : memref<632x48xi16, #tpu.memory_space<hbm>>) target(%dma_start3A_128 : memref<632x48xi16, #tpu.memory_space<vmem_shared>>) target_semaphore(%run_scoped3A : memref<!tpu.dma_semaphore, #tpu.memory_space<semaphore_mem>>)
      %dma_wait3A_129 = arith.constant 0 : i32
      %dma_wait3A_130 = tpu.memref_slice %arg13[%mul3A_2, %dma_wait3A_129] : memref<10112x48xi16, #tpu.memory_space<vmem_shared>> -> memref<632x48xi16, #tpu.memory_space<vmem_shared>>
      tpu.wait_dma2 semaphore(%run_scoped3A : memref<!tpu.dma_semaphore, #tpu.memory_space<semaphore_mem>>) src(%arg5 : memref<632x48xi16, #tpu.memory_space<hbm>>) dst(%dma_wait3A_130 : memref<632x48xi16, #tpu.memory_space<vmem_shared>>)
      tpu.yield
    }) : () -> ()
    %mul3A_3 = arith.constant 80 : i32
    %mul3A_4 = arith.muli %add3A, %mul3A_3 : i32
    %lt3A = arith.constant 31 : i32
    %lt3A_5 = arith.cmpi slt, %add3A, %lt3A : i32
    %convert_element_type3A = arith.extui %lt3A_5 : i1 to i32
    %cond3A = arith.constant 0 : i32
    %cond3A_6 = arith.cmpi ne, %convert_element_type3A, %cond3A : i32
    scf.if %cond3A_6 {
      %run_scoped3A = arith.constant 0 : i32
      "tpu.region"() ({
        %run_scoped3A_128 = tpu.sem_alloc : memref<!tpu.dma_semaphore, #tpu.memory_space<semaphore_mem>>
        %dma_start3A_129 = arith.constant 0 : i32
        %dma_start3A_130 = tpu.memref_slice %arg3[%run_scoped3A, %mul3A_4, %dma_start3A_129] : memref<2x2500x128xi32, #tpu.memory_space<hbm>> -> memref<1x80x128xi32, #tpu.memory_space<hbm>>
        %dma_start3A_131 = tpu.memref_squeeze %dma_start3A_130 : memref<1x80x128xi32, #tpu.memory_space<hbm>> -> memref<80x128xi32, #tpu.memory_space<hbm>>
        %dma_start3A_132 = arith.constant 0 : i32
        %dma_start3A_133 = tpu.memref_slice %arg3[%run_scoped3A, %mul3A_4, %dma_start3A_132] : memref<2x2500x128xi32, #tpu.memory_space<hbm>> -> memref<1x80x128xi32, #tpu.memory_space<hbm>>
        %dma_start3A_134 = tpu.memref_squeeze %dma_start3A_133 : memref<1x80x128xi32, #tpu.memory_space<hbm>> -> memref<80x128xi32, #tpu.memory_space<hbm>>
        tpu.enqueue_dma source(%dma_start3A_134 : memref<80x128xi32, #tpu.memory_space<hbm>>) target(%arg7 : memref<80x128xi32, #tpu.memory_space<vmem>>) target_semaphore(%run_scoped3A_128 : memref<!tpu.dma_semaphore, #tpu.memory_space<semaphore_mem>>)
        %dma_wait3A_135 = arith.constant 0 : i32
        %dma_wait3A_136 = tpu.memref_slice %arg3[%run_scoped3A, %mul3A_4, %dma_wait3A_135] : memref<2x2500x128xi32, #tpu.memory_space<hbm>> -> memref<1x80x128xi32, #tpu.memory_space<hbm>>
        %dma_wait3A_137 = tpu.memref_squeeze %dma_wait3A_136 : memref<1x80x128xi32, #tpu.memory_space<hbm>> -> memref<80x128xi32, #tpu.memory_space<hbm>>
        %dma_wait3A_138 = arith.constant 0 : i32
        %dma_wait3A_139 = tpu.memref_slice %arg3[%run_scoped3A, %mul3A_4, %dma_wait3A_138] : memref<2x2500x128xi32, #tpu.memory_space<hbm>> -> memref<1x80x128xi32, #tpu.memory_space<hbm>>
        %dma_wait3A_140 = tpu.memref_squeeze %dma_wait3A_139 : memref<1x80x128xi32, #tpu.memory_space<hbm>> -> memref<80x128xi32, #tpu.memory_space<hbm>>
        tpu.wait_dma2 semaphore(%run_scoped3A_128 : memref<!tpu.dma_semaphore, #tpu.memory_space<semaphore_mem>>) src(%dma_wait3A_140 : memref<80x128xi32, #tpu.memory_space<hbm>>) dst(%arg7 : memref<80x128xi32, #tpu.memory_space<vmem>>)
        tpu.yield
      }) : () -> ()
      %run_scoped3A_127 = arith.constant 1 : i32
      "tpu.region"() ({
        %run_scoped3A_128 = tpu.sem_alloc : memref<!tpu.dma_semaphore, #tpu.memory_space<semaphore_mem>>
        %dma_start3A_129 = arith.constant 0 : i32
        %dma_start3A_130 = tpu.memref_slice %arg3[%run_scoped3A_127, %mul3A_4, %dma_start3A_129] : memref<2x2500x128xi32, #tpu.memory_space<hbm>> -> memref<1x80x128xi32, #tpu.memory_space<hbm>>
        %dma_start3A_131 = tpu.memref_squeeze %dma_start3A_130 : memref<1x80x128xi32, #tpu.memory_space<hbm>> -> memref<80x128xi32, #tpu.memory_space<hbm>>
        %dma_start3A_132 = arith.constant 0 : i32
        %dma_start3A_133 = tpu.memref_slice %arg3[%run_scoped3A_127, %mul3A_4, %dma_start3A_132] : memref<2x2500x128xi32, #tpu.memory_space<hbm>> -> memref<1x80x128xi32, #tpu.memory_space<hbm>>
        %dma_start3A_134 = tpu.memref_squeeze %dma_start3A_133 : memref<1x80x128xi32, #tpu.memory_space<hbm>> -> memref<80x128xi32, #tpu.memory_space<hbm>>
        tpu.enqueue_dma source(%dma_start3A_134 : memref<80x128xi32, #tpu.memory_space<hbm>>) target(%arg8 : memref<80x128xi32, #tpu.memory_space<vmem>>) target_semaphore(%run_scoped3A_128 : memref<!tpu.dma_semaphore, #tpu.memory_space<semaphore_mem>>)
        %dma_wait3A_135 = arith.constant 0 : i32
        %dma_wait3A_136 = tpu.memref_slice %arg3[%run_scoped3A_127, %mul3A_4, %dma_wait3A_135] : memref<2x2500x128xi32, #tpu.memory_space<hbm>> -> memref<1x80x128xi32, #tpu.memory_space<hbm>>
        %dma_wait3A_137 = tpu.memref_squeeze %dma_wait3A_136 : memref<1x80x128xi32, #tpu.memory_space<hbm>> -> memref<80x128xi32, #tpu.memory_space<hbm>>
        %dma_wait3A_138 = arith.constant 0 : i32
        %dma_wait3A_139 = tpu.memref_slice %arg3[%run_scoped3A_127, %mul3A_4, %dma_wait3A_138] : memref<2x2500x128xi32, #tpu.memory_space<hbm>> -> memref<1x80x128xi32, #tpu.memory_space<hbm>>
        %dma_wait3A_140 = tpu.memref_squeeze %dma_wait3A_139 : memref<1x80x128xi32, #tpu.memory_space<hbm>> -> memref<80x128xi32, #tpu.memory_space<hbm>>
        tpu.wait_dma2 semaphore(%run_scoped3A_128 : memref<!tpu.dma_semaphore, #tpu.memory_space<semaphore_mem>>) src(%dma_wait3A_140 : memref<80x128xi32, #tpu.memory_space<hbm>>) dst(%arg8 : memref<80x128xi32, #tpu.memory_space<vmem>>)
        tpu.yield
      }) : () -> ()
    } else {
    }
    %eq3A = arith.constant 31 : i32
    %eq3A_7 = arith.cmpi eq, %add3A, %eq3A : i32
    %convert_element_type3A_8 = arith.extui %eq3A_7 : i1 to i32
    %cond3A_9 = arith.constant 0 : i32
    %cond3A_10 = arith.cmpi ne, %convert_element_type3A_8, %cond3A_9 : i32
    scf.if %cond3A_10 {
      %run_scoped3A = arith.constant 0 : i32
      "tpu.region"() ({
        %run_scoped3A_130 = tpu.sem_alloc : memref<!tpu.dma_semaphore, #tpu.memory_space<semaphore_mem>>
        %dma_start3A_131 = arith.constant 0 : i32
        %dma_start3A_132 = arith.constant 0 : i32
        %dma_start3A_133 = tpu.memref_slice %arg7[%dma_start3A_131, %dma_start3A_132] : memref<80x128xi32, #tpu.memory_space<vmem>> -> memref<20x128xi32, #tpu.memory_space<vmem>>
        %dma_start3A_134 = arith.constant 2480 : i32
        %dma_start3A_135 = arith.constant 0 : i32
        %dma_start3A_136 = tpu.memref_slice %arg3[%run_scoped3A, %dma_start3A_134, %dma_start3A_135] : memref<2x2500x128xi32, #tpu.memory_space<hbm>> -> memref<1x20x128xi32, #tpu.memory_space<hbm>>
        %dma_start3A_137 = tpu.memref_squeeze %dma_start3A_136 : memref<1x20x128xi32, #tpu.memory_space<hbm>> -> memref<20x128xi32, #tpu.memory_space<hbm>>
        %dma_start3A_138 = arith.constant 0 : i32
        %dma_start3A_139 = arith.constant 0 : i32
        %dma_start3A_140 = tpu.memref_slice %arg7[%dma_start3A_138, %dma_start3A_139] : memref<80x128xi32, #tpu.memory_space<vmem>> -> memref<20x128xi32, #tpu.memory_space<vmem>>
        %dma_start3A_141 = arith.constant 2480 : i32
        %dma_start3A_142 = arith.constant 0 : i32
        %dma_start3A_143 = tpu.memref_slice %arg3[%run_scoped3A, %dma_start3A_141, %dma_start3A_142] : memref<2x2500x128xi32, #tpu.memory_space<hbm>> -> memref<1x20x128xi32, #tpu.memory_space<hbm>>
        %dma_start3A_144 = tpu.memref_squeeze %dma_start3A_143 : memref<1x20x128xi32, #tpu.memory_space<hbm>> -> memref<20x128xi32, #tpu.memory_space<hbm>>
        tpu.enqueue_dma source(%dma_start3A_144 : memref<20x128xi32, #tpu.memory_space<hbm>>) target(%dma_start3A_140 : memref<20x128xi32, #tpu.memory_space<vmem>>) target_semaphore(%run_scoped3A_130 : memref<!tpu.dma_semaphore, #tpu.memory_space<semaphore_mem>>)
        %dma_wait3A_145 = arith.constant 0 : i32
        %dma_wait3A_146 = arith.constant 0 : i32
        %dma_wait3A_147 = tpu.memref_slice %arg7[%dma_wait3A_145, %dma_wait3A_146] : memref<80x128xi32, #tpu.memory_space<vmem>> -> memref<20x128xi32, #tpu.memory_space<vmem>>
        %dma_wait3A_148 = arith.constant 2480 : i32
        %dma_wait3A_149 = arith.constant 0 : i32
        %dma_wait3A_150 = tpu.memref_slice %arg3[%run_scoped3A, %dma_wait3A_148, %dma_wait3A_149] : memref<2x2500x128xi32, #tpu.memory_space<hbm>> -> memref<1x20x128xi32, #tpu.memory_space<hbm>>
        %dma_wait3A_151 = tpu.memref_squeeze %dma_wait3A_150 : memref<1x20x128xi32, #tpu.memory_space<hbm>> -> memref<20x128xi32, #tpu.memory_space<hbm>>
        %dma_wait3A_152 = arith.constant 0 : i32
        %dma_wait3A_153 = arith.constant 0 : i32
        %dma_wait3A_154 = tpu.memref_slice %arg7[%dma_wait3A_152, %dma_wait3A_153] : memref<80x128xi32, #tpu.memory_space<vmem>> -> memref<20x128xi32, #tpu.memory_space<vmem>>
        %dma_wait3A_155 = arith.constant 2480 : i32
        %dma_wait3A_156 = arith.constant 0 : i32
        %dma_wait3A_157 = tpu.memref_slice %arg3[%run_scoped3A, %dma_wait3A_155, %dma_wait3A_156] : memref<2x2500x128xi32, #tpu.memory_space<hbm>> -> memref<1x20x128xi32, #tpu.memory_space<hbm>>
        %dma_wait3A_158 = tpu.memref_squeeze %dma_wait3A_157 : memref<1x20x128xi32, #tpu.memory_space<hbm>> -> memref<20x128xi32, #tpu.memory_space<hbm>>
        tpu.wait_dma2 semaphore(%run_scoped3A_130 : memref<!tpu.dma_semaphore, #tpu.memory_space<semaphore_mem>>) src(%dma_wait3A_158 : memref<20x128xi32, #tpu.memory_space<hbm>>) dst(%dma_wait3A_154 : memref<20x128xi32, #tpu.memory_space<vmem>>)
        tpu.yield
      }) : () -> ()
      %run_scoped3A_127 = arith.constant 0 : i32
      "tpu.region"() ({
        %run_scoped3A_130 = tpu.sem_alloc : memref<!tpu.dma_semaphore, #tpu.memory_space<semaphore_mem>>
        %dma_start3A_131 = arith.constant 20 : i32
        %dma_start3A_132 = arith.constant 0 : i32
        %dma_start3A_133 = tpu.memref_slice %arg7[%dma_start3A_131, %dma_start3A_132] : memref<80x128xi32, #tpu.memory_space<vmem>> -> memref<60x128xi32, #tpu.memory_space<vmem>>
        %dma_start3A_134 = arith.constant 0 : i32
        %dma_start3A_135 = arith.constant 0 : i32
        %dma_start3A_136 = tpu.memref_slice %arg4[%run_scoped3A_127, %dma_start3A_134, %dma_start3A_135] : memref<2x60x128xi32, #tpu.memory_space<hbm>> -> memref<1x60x128xi32, #tpu.memory_space<hbm>>
        %dma_start3A_137 = tpu.memref_squeeze %dma_start3A_136 : memref<1x60x128xi32, #tpu.memory_space<hbm>> -> memref<60x128xi32, #tpu.memory_space<hbm>>
        %dma_start3A_138 = arith.constant 20 : i32
        %dma_start3A_139 = arith.constant 0 : i32
        %dma_start3A_140 = tpu.memref_slice %arg7[%dma_start3A_138, %dma_start3A_139] : memref<80x128xi32, #tpu.memory_space<vmem>> -> memref<60x128xi32, #tpu.memory_space<vmem>>
        %dma_start3A_141 = arith.constant 0 : i32
        %dma_start3A_142 = arith.constant 0 : i32
        %dma_start3A_143 = tpu.memref_slice %arg4[%run_scoped3A_127, %dma_start3A_141, %dma_start3A_142] : memref<2x60x128xi32, #tpu.memory_space<hbm>> -> memref<1x60x128xi32, #tpu.memory_space<hbm>>
        %dma_start3A_144 = tpu.memref_squeeze %dma_start3A_143 : memref<1x60x128xi32, #tpu.memory_space<hbm>> -> memref<60x128xi32, #tpu.memory_space<hbm>>
        tpu.enqueue_dma source(%dma_start3A_144 : memref<60x128xi32, #tpu.memory_space<hbm>>) target(%dma_start3A_140 : memref<60x128xi32, #tpu.memory_space<vmem>>) target_semaphore(%run_scoped3A_130 : memref<!tpu.dma_semaphore, #tpu.memory_space<semaphore_mem>>)
        %dma_wait3A_145 = arith.constant 20 : i32
        %dma_wait3A_146 = arith.constant 0 : i32
        %dma_wait3A_147 = tpu.memref_slice %arg7[%dma_wait3A_145, %dma_wait3A_146] : memref<80x128xi32, #tpu.memory_space<vmem>> -> memref<60x128xi32, #tpu.memory_space<vmem>>
        %dma_wait3A_148 = arith.constant 0 : i32
        %dma_wait3A_149 = arith.constant 0 : i32
        %dma_wait3A_150 = tpu.memref_slice %arg4[%run_scoped3A_127, %dma_wait3A_148, %dma_wait3A_149] : memref<2x60x128xi32, #tpu.memory_space<hbm>> -> memref<1x60x128xi32, #tpu.memory_space<hbm>>
        %dma_wait3A_151 = tpu.memref_squeeze %dma_wait3A_150 : memref<1x60x128xi32, #tpu.memory_space<hbm>> -> memref<60x128xi32, #tpu.memory_space<hbm>>
        %dma_wait3A_152 = arith.constant 20 : i32
        %dma_wait3A_153 = arith.constant 0 : i32
        %dma_wait3A_154 = tpu.memref_slice %arg7[%dma_wait3A_152, %dma_wait3A_153] : memref<80x128xi32, #tpu.memory_space<vmem>> -> memref<60x128xi32, #tpu.memory_space<vmem>>
        %dma_wait3A_155 = arith.constant 0 : i32
        %dma_wait3A_156 = arith.constant 0 : i32
        %dma_wait3A_157 = tpu.memref_slice %arg4[%run_scoped3A_127, %dma_wait3A_155, %dma_wait3A_156] : memref<2x60x128xi32, #tpu.memory_space<hbm>> -> memref<1x60x128xi32, #tpu.memory_space<hbm>>
        %dma_wait3A_158 = tpu.memref_squeeze %dma_wait3A_157 : memref<1x60x128xi32, #tpu.memory_space<hbm>> -> memref<60x128xi32, #tpu.memory_space<hbm>>
        tpu.wait_dma2 semaphore(%run_scoped3A_130 : memref<!tpu.dma_semaphore, #tpu.memory_space<semaphore_mem>>) src(%dma_wait3A_158 : memref<60x128xi32, #tpu.memory_space<hbm>>) dst(%dma_wait3A_154 : memref<60x128xi32, #tpu.memory_space<vmem>>)
        tpu.yield
      }) : () -> ()
      %run_scoped3A_128 = arith.constant 1 : i32
      "tpu.region"() ({
        %run_scoped3A_130 = tpu.sem_alloc : memref<!tpu.dma_semaphore, #tpu.memory_space<semaphore_mem>>
        %dma_start3A_131 = arith.constant 0 : i32
        %dma_start3A_132 = arith.constant 0 : i32
        %dma_start3A_133 = tpu.memref_slice %arg8[%dma_start3A_131, %dma_start3A_132] : memref<80x128xi32, #tpu.memory_space<vmem>> -> memref<20x128xi32, #tpu.memory_space<vmem>>
        %dma_start3A_134 = arith.constant 2480 : i32
        %dma_start3A_135 = arith.constant 0 : i32
        %dma_start3A_136 = tpu.memref_slice %arg3[%run_scoped3A_128, %dma_start3A_134, %dma_start3A_135] : memref<2x2500x128xi32, #tpu.memory_space<hbm>> -> memref<1x20x128xi32, #tpu.memory_space<hbm>>
        %dma_start3A_137 = tpu.memref_squeeze %dma_start3A_136 : memref<1x20x128xi32, #tpu.memory_space<hbm>> -> memref<20x128xi32, #tpu.memory_space<hbm>>
        %dma_start3A_138 = arith.constant 0 : i32
        %dma_start3A_139 = arith.constant 0 : i32
        %dma_start3A_140 = tpu.memref_slice %arg8[%dma_start3A_138, %dma_start3A_139] : memref<80x128xi32, #tpu.memory_space<vmem>> -> memref<20x128xi32, #tpu.memory_space<vmem>>
        %dma_start3A_141 = arith.constant 2480 : i32
        %dma_start3A_142 = arith.constant 0 : i32
        %dma_start3A_143 = tpu.memref_slice %arg3[%run_scoped3A_128, %dma_start3A_141, %dma_start3A_142] : memref<2x2500x128xi32, #tpu.memory_space<hbm>> -> memref<1x20x128xi32, #tpu.memory_space<hbm>>
        %dma_start3A_144 = tpu.memref_squeeze %dma_start3A_143 : memref<1x20x128xi32, #tpu.memory_space<hbm>> -> memref<20x128xi32, #tpu.memory_space<hbm>>
        tpu.enqueue_dma source(%dma_start3A_144 : memref<20x128xi32, #tpu.memory_space<hbm>>) target(%dma_start3A_140 : memref<20x128xi32, #tpu.memory_space<vmem>>) target_semaphore(%run_scoped3A_130 : memref<!tpu.dma_semaphore, #tpu.memory_space<semaphore_mem>>)
        %dma_wait3A_145 = arith.constant 0 : i32
        %dma_wait3A_146 = arith.constant 0 : i32
        %dma_wait3A_147 = tpu.memref_slice %arg8[%dma_wait3A_145, %dma_wait3A_146] : memref<80x128xi32, #tpu.memory_space<vmem>> -> memref<20x128xi32, #tpu.memory_space<vmem>>
        %dma_wait3A_148 = arith.constant 2480 : i32
        %dma_wait3A_149 = arith.constant 0 : i32
        %dma_wait3A_150 = tpu.memref_slice %arg3[%run_scoped3A_128, %dma_wait3A_148, %dma_wait3A_149] : memref<2x2500x128xi32, #tpu.memory_space<hbm>> -> memref<1x20x128xi32, #tpu.memory_space<hbm>>
        %dma_wait3A_151 = tpu.memref_squeeze %dma_wait3A_150 : memref<1x20x128xi32, #tpu.memory_space<hbm>> -> memref<20x128xi32, #tpu.memory_space<hbm>>
        %dma_wait3A_152 = arith.constant 0 : i32
        %dma_wait3A_153 = arith.constant 0 : i32
        %dma_wait3A_154 = tpu.memref_slice %arg8[%dma_wait3A_152, %dma_wait3A_153] : memref<80x128xi32, #tpu.memory_space<vmem>> -> memref<20x128xi32, #tpu.memory_space<vmem>>
        %dma_wait3A_155 = arith.constant 2480 : i32
        %dma_wait3A_156 = arith.constant 0 : i32
        %dma_wait3A_157 = tpu.memref_slice %arg3[%run_scoped3A_128, %dma_wait3A_155, %dma_wait3A_156] : memref<2x2500x128xi32, #tpu.memory_space<hbm>> -> memref<1x20x128xi32, #tpu.memory_space<hbm>>
        %dma_wait3A_158 = tpu.memref_squeeze %dma_wait3A_157 : memref<1x20x128xi32, #tpu.memory_space<hbm>> -> memref<20x128xi32, #tpu.memory_space<hbm>>
        tpu.wait_dma2 semaphore(%run_scoped3A_130 : memref<!tpu.dma_semaphore, #tpu.memory_space<semaphore_mem>>) src(%dma_wait3A_158 : memref<20x128xi32, #tpu.memory_space<hbm>>) dst(%dma_wait3A_154 : memref<20x128xi32, #tpu.memory_space<vmem>>)
        tpu.yield
      }) : () -> ()
      %run_scoped3A_129 = arith.constant 1 : i32
      "tpu.region"() ({
        %run_scoped3A_130 = tpu.sem_alloc : memref<!tpu.dma_semaphore, #tpu.memory_space<semaphore_mem>>
        %dma_start3A_131 = arith.constant 20 : i32
        %dma_start3A_132 = arith.constant 0 : i32
        %dma_start3A_133 = tpu.memref_slice %arg8[%dma_start3A_131, %dma_start3A_132] : memref<80x128xi32, #tpu.memory_space<vmem>> -> memref<60x128xi32, #tpu.memory_space<vmem>>
        %dma_start3A_134 = arith.constant 0 : i32
        %dma_start3A_135 = arith.constant 0 : i32
        %dma_start3A_136 = tpu.memref_slice %arg4[%run_scoped3A_129, %dma_start3A_134, %dma_start3A_135] : memref<2x60x128xi32, #tpu.memory_space<hbm>> -> memref<1x60x128xi32, #tpu.memory_space<hbm>>
        %dma_start3A_137 = tpu.memref_squeeze %dma_start3A_136 : memref<1x60x128xi32, #tpu.memory_space<hbm>> -> memref<60x128xi32, #tpu.memory_space<hbm>>
        %dma_start3A_138 = arith.constant 20 : i32
        %dma_start3A_139 = arith.constant 0 : i32
        %dma_start3A_140 = tpu.memref_slice %arg8[%dma_start3A_138, %dma_start3A_139] : memref<80x128xi32, #tpu.memory_space<vmem>> -> memref<60x128xi32, #tpu.memory_space<vmem>>
        %dma_start3A_141 = arith.constant 0 : i32
        %dma_start3A_142 = arith.constant 0 : i32
        %dma_start3A_143 = tpu.memref_slice %arg4[%run_scoped3A_129, %dma_start3A_141, %dma_start3A_142] : memref<2x60x128xi32, #tpu.memory_space<hbm>> -> memref<1x60x128xi32, #tpu.memory_space<hbm>>
        %dma_start3A_144 = tpu.memref_squeeze %dma_start3A_143 : memref<1x60x128xi32, #tpu.memory_space<hbm>> -> memref<60x128xi32, #tpu.memory_space<hbm>>
        tpu.enqueue_dma source(%dma_start3A_144 : memref<60x128xi32, #tpu.memory_space<hbm>>) target(%dma_start3A_140 : memref<60x128xi32, #tpu.memory_space<vmem>>) target_semaphore(%run_scoped3A_130 : memref<!tpu.dma_semaphore, #tpu.memory_space<semaphore_mem>>)
        %dma_wait3A_145 = arith.constant 20 : i32
        %dma_wait3A_146 = arith.constant 0 : i32
        %dma_wait3A_147 = tpu.memref_slice %arg8[%dma_wait3A_145, %dma_wait3A_146] : memref<80x128xi32, #tpu.memory_space<vmem>> -> memref<60x128xi32, #tpu.memory_space<vmem>>
        %dma_wait3A_148 = arith.constant 0 : i32
        %dma_wait3A_149 = arith.constant 0 : i32
        %dma_wait3A_150 = tpu.memref_slice %arg4[%run_scoped3A_129, %dma_wait3A_148, %dma_wait3A_149] : memref<2x60x128xi32, #tpu.memory_space<hbm>> -> memref<1x60x128xi32, #tpu.memory_space<hbm>>
        %dma_wait3A_151 = tpu.memref_squeeze %dma_wait3A_150 : memref<1x60x128xi32, #tpu.memory_space<hbm>> -> memref<60x128xi32, #tpu.memory_space<hbm>>
        %dma_wait3A_152 = arith.constant 20 : i32
        %dma_wait3A_153 = arith.constant 0 : i32
        %dma_wait3A_154 = tpu.memref_slice %arg8[%dma_wait3A_152, %dma_wait3A_153] : memref<80x128xi32, #tpu.memory_space<vmem>> -> memref<60x128xi32, #tpu.memory_space<vmem>>
        %dma_wait3A_155 = arith.constant 0 : i32
        %dma_wait3A_156 = arith.constant 0 : i32
        %dma_wait3A_157 = tpu.memref_slice %arg4[%run_scoped3A_129, %dma_wait3A_155, %dma_wait3A_156] : memref<2x60x128xi32, #tpu.memory_space<hbm>> -> memref<1x60x128xi32, #tpu.memory_space<hbm>>
        %dma_wait3A_158 = tpu.memref_squeeze %dma_wait3A_157 : memref<1x60x128xi32, #tpu.memory_space<hbm>> -> memref<60x128xi32, #tpu.memory_space<hbm>>
        tpu.wait_dma2 semaphore(%run_scoped3A_130 : memref<!tpu.dma_semaphore, #tpu.memory_space<semaphore_mem>>) src(%dma_wait3A_158 : memref<60x128xi32, #tpu.memory_space<hbm>>) dst(%dma_wait3A_154 : memref<60x128xi32, #tpu.memory_space<vmem>>)
        tpu.yield
      }) : () -> ()
    } else {
    }
    %barrier3A = arith.constant 0 : index
    tpu.barrier barrier_id(%barrier3A)
    %dma_start3A = arith.constant 0 : i32
    %dma_start3A_11 = arith.constant 0 : i32
    %dma_start3A_12 = tpu.memref_slice %arg7[%dma_start3A, %dma_start3A_11] : memref<80x128xi32, #tpu.memory_space<vmem>> -> memref<1x128xi32, #tpu.memory_space<vmem>>
    %dma_start3A_13 = tpu.memref_squeeze %dma_start3A_12 : memref<1x128xi32, #tpu.memory_space<vmem>> -> memref<128xi32, #tpu.memory_space<vmem>>
    %dma_start3A_14 = arith.constant 0 : i32
    %dma_start3A_15 = arith.constant 0 : i32
    %dma_start3A_16 = tpu.memref_slice %arg2[%dma_start3A_14, %dma_start3A_15] : memref<10000x48xi16, #tpu.memory_space<hbm>> -> memref<10000x48xi16, #tpu.memory_space<hbm>>
    tpu.enqueue_indirect_dma source(%dma_start3A_16 : memref<10000x48xi16, #tpu.memory_space<hbm>>) target(%arg9 : memref<128x48xi16, #tpu.memory_space<vmem>>) offsets(%dma_start3A_13 : memref<128xi32, #tpu.memory_space<vmem>>) semaphore(%arg14 : memref<!tpu.dma_semaphore, #tpu.memory_space<semaphore_mem>>)
    %dma_start3A_17 = arith.constant 1 : i32
    %dma_start3A_18 = arith.constant 0 : i32
    %dma_start3A_19 = tpu.memref_slice %arg7[%dma_start3A_17, %dma_start3A_18] : memref<80x128xi32, #tpu.memory_space<vmem>> -> memref<1x128xi32, #tpu.memory_space<vmem>>
    %dma_start3A_20 = tpu.memref_squeeze %dma_start3A_19 : memref<1x128xi32, #tpu.memory_space<vmem>> -> memref<128xi32, #tpu.memory_space<vmem>>
    %dma_start3A_21 = arith.constant 0 : i32
    %dma_start3A_22 = arith.constant 0 : i32
    %dma_start3A_23 = tpu.memref_slice %arg2[%dma_start3A_21, %dma_start3A_22] : memref<10000x48xi16, #tpu.memory_space<hbm>> -> memref<10000x48xi16, #tpu.memory_space<hbm>>
    tpu.enqueue_indirect_dma source(%dma_start3A_23 : memref<10000x48xi16, #tpu.memory_space<hbm>>) target(%arg10 : memref<128x48xi16, #tpu.memory_space<vmem>>) offsets(%dma_start3A_20 : memref<128xi32, #tpu.memory_space<vmem>>) semaphore(%arg15 : memref<!tpu.dma_semaphore, #tpu.memory_space<semaphore_mem>>)
    %dma_start3A_24 = arith.constant 2 : i32
    %dma_start3A_25 = arith.constant 0 : i32
    %dma_start3A_26 = tpu.memref_slice %arg7[%dma_start3A_24, %dma_start3A_25] : memref<80x128xi32, #tpu.memory_space<vmem>> -> memref<1x128xi32, #tpu.memory_space<vmem>>
    %dma_start3A_27 = tpu.memref_squeeze %dma_start3A_26 : memref<1x128xi32, #tpu.memory_space<vmem>> -> memref<128xi32, #tpu.memory_space<vmem>>
    %dma_start3A_28 = arith.constant 0 : i32
    %dma_start3A_29 = arith.constant 0 : i32
    %dma_start3A_30 = tpu.memref_slice %arg2[%dma_start3A_28, %dma_start3A_29] : memref<10000x48xi16, #tpu.memory_space<hbm>> -> memref<10000x48xi16, #tpu.memory_space<hbm>>
    tpu.enqueue_indirect_dma source(%dma_start3A_30 : memref<10000x48xi16, #tpu.memory_space<hbm>>) target(%arg11 : memref<128x48xi16, #tpu.memory_space<vmem>>) offsets(%dma_start3A_27 : memref<128xi32, #tpu.memory_space<vmem>>) semaphore(%arg16 : memref<!tpu.dma_semaphore, #tpu.memory_space<semaphore_mem>>)
    %dma_start3A_31 = arith.constant 3 : i32
    %dma_start3A_32 = arith.constant 0 : i32
    %dma_start3A_33 = tpu.memref_slice %arg7[%dma_start3A_31, %dma_start3A_32] : memref<80x128xi32, #tpu.memory_space<vmem>> -> memref<1x128xi32, #tpu.memory_space<vmem>>
    %dma_start3A_34 = tpu.memref_squeeze %dma_start3A_33 : memref<1x128xi32, #tpu.memory_space<vmem>> -> memref<128xi32, #tpu.memory_space<vmem>>
    %dma_start3A_35 = arith.constant 0 : i32
    %dma_start3A_36 = arith.constant 0 : i32
    %dma_start3A_37 = tpu.memref_slice %arg2[%dma_start3A_35, %dma_start3A_36] : memref<10000x48xi16, #tpu.memory_space<hbm>> -> memref<10000x48xi16, #tpu.memory_space<hbm>>
    tpu.enqueue_indirect_dma source(%dma_start3A_37 : memref<10000x48xi16, #tpu.memory_space<hbm>>) target(%arg12 : memref<128x48xi16, #tpu.memory_space<vmem>>) offsets(%dma_start3A_34 : memref<128xi32, #tpu.memory_space<vmem>>) semaphore(%arg17 : memref<!tpu.dma_semaphore, #tpu.memory_space<semaphore_mem>>)
    %scan3A = arith.constant 0 : i32
    %scan3A_38 = arith.constant 0 : i32
    %scan3A_39 = arith.constant 19 : i32
    %scan3A_40 = arith.addi %scan3A_38, %scan3A_39 : i32
    %scan3A_41 = arith.constant 1 : i32
    scf.for %scan3A_127 = %scan3A_38 to %scan3A_40 step %scan3A_41  : i32 {
      %mul3A_128 = arith.constant 4 : i32
      %mul3A_129 = arith.muli %mul3A_128, %scan3A_127 : i32
      %dma_wait3A_130 = arith.constant 0 : i32
      %dma_wait3A_131 = arith.constant 0 : i32
      %dma_wait3A_132 = tpu.memref_slice %arg7[%dma_wait3A_130, %dma_wait3A_131] : memref<80x128xi32, #tpu.memory_space<vmem>> -> memref<1x128xi32, #tpu.memory_space<vmem>>
      %dma_wait3A_133 = tpu.memref_squeeze %dma_wait3A_132 : memref<1x128xi32, #tpu.memory_space<vmem>> -> memref<128xi32, #tpu.memory_space<vmem>>
      %dma_wait3A_134 = arith.constant 0 : i32
      %dma_wait3A_135 = arith.constant 0 : i32
      %dma_wait3A_136 = tpu.memref_slice %arg2[%dma_wait3A_134, %dma_wait3A_135] : memref<10000x48xi16, #tpu.memory_space<hbm>> -> memref<10000x48xi16, #tpu.memory_space<hbm>>
      tpu.wait_indirect_dma semaphore(%arg14 : memref<!tpu.dma_semaphore, #tpu.memory_space<semaphore_mem>>) src(%dma_wait3A_136 : memref<10000x48xi16, #tpu.memory_space<hbm>>) dst(%arg9 : memref<128x48xi16, #tpu.memory_space<vmem>>)
      %add3A_137 = arith.constant 0 : i32
      %add3A_138 = arith.addi %mul3A_129, %add3A_137 : i32
      %dma_start3A_139 = arith.constant 0 : i32
      %dma_start3A_140 = tpu.memref_slice %arg8[%add3A_138, %dma_start3A_139] : memref<80x128xi32, #tpu.memory_space<vmem>> -> memref<1x128xi32, #tpu.memory_space<vmem>>
      %dma_start3A_141 = tpu.memref_squeeze %dma_start3A_140 : memref<1x128xi32, #tpu.memory_space<vmem>> -> memref<128xi32, #tpu.memory_space<vmem>>
      %dma_start3A_142 = arith.constant 0 : i32
      %dma_start3A_143 = arith.constant 0 : i32
      %dma_start3A_144 = tpu.memref_slice %arg13[%dma_start3A_142, %dma_start3A_143] : memref<10112x48xi16, #tpu.memory_space<vmem_shared>> -> memref<10112x48xi16, #tpu.memory_space<vmem_shared>>
      tpu.enqueue_indirect_dma source(%arg9 : memref<128x48xi16, #tpu.memory_space<vmem>>) target(%dma_start3A_144 : memref<10112x48xi16, #tpu.memory_space<vmem_shared>>) offsets(%dma_start3A_141 : memref<128xi32, #tpu.memory_space<vmem>>) semaphore(%arg18 : memref<!tpu.dma_semaphore, #tpu.memory_space<semaphore_mem>>) {add = true}
      %dma_wait3A_145 = arith.constant 0 : i32
      %dma_wait3A_146 = arith.constant 0 : i32
      %dma_wait3A_147 = tpu.memref_slice %arg7[%dma_wait3A_145, %dma_wait3A_146] : memref<80x128xi32, #tpu.memory_space<vmem>> -> memref<1x128xi32, #tpu.memory_space<vmem>>
      %dma_wait3A_148 = tpu.memref_squeeze %dma_wait3A_147 : memref<1x128xi32, #tpu.memory_space<vmem>> -> memref<128xi32, #tpu.memory_space<vmem>>
      %dma_wait3A_149 = arith.constant 0 : i32
      %dma_wait3A_150 = arith.constant 0 : i32
      %dma_wait3A_151 = tpu.memref_slice %arg2[%dma_wait3A_149, %dma_wait3A_150] : memref<10000x48xi16, #tpu.memory_space<hbm>> -> memref<10000x48xi16, #tpu.memory_space<hbm>>
      tpu.wait_indirect_dma semaphore(%arg15 : memref<!tpu.dma_semaphore, #tpu.memory_space<semaphore_mem>>) src(%dma_wait3A_151 : memref<10000x48xi16, #tpu.memory_space<hbm>>) dst(%arg10 : memref<128x48xi16, #tpu.memory_space<vmem>>)
      %add3A_152 = arith.constant 1 : i32
      %add3A_153 = arith.addi %mul3A_129, %add3A_152 : i32
      %dma_start3A_154 = arith.constant 0 : i32
      %dma_start3A_155 = tpu.memref_slice %arg8[%add3A_153, %dma_start3A_154] : memref<80x128xi32, #tpu.memory_space<vmem>> -> memref<1x128xi32, #tpu.memory_space<vmem>>
      %dma_start3A_156 = tpu.memref_squeeze %dma_start3A_155 : memref<1x128xi32, #tpu.memory_space<vmem>> -> memref<128xi32, #tpu.memory_space<vmem>>
      %dma_start3A_157 = arith.constant 0 : i32
      %dma_start3A_158 = arith.constant 0 : i32
      %dma_start3A_159 = tpu.memref_slice %arg13[%dma_start3A_157, %dma_start3A_158] : memref<10112x48xi16, #tpu.memory_space<vmem_shared>> -> memref<10112x48xi16, #tpu.memory_space<vmem_shared>>
      tpu.enqueue_indirect_dma source(%arg10 : memref<128x48xi16, #tpu.memory_space<vmem>>) target(%dma_start3A_159 : memref<10112x48xi16, #tpu.memory_space<vmem_shared>>) offsets(%dma_start3A_156 : memref<128xi32, #tpu.memory_space<vmem>>) semaphore(%arg19 : memref<!tpu.dma_semaphore, #tpu.memory_space<semaphore_mem>>) {add = true}
      %dma_wait3A_160 = arith.constant 0 : i32
      %dma_wait3A_161 = arith.constant 0 : i32
      %dma_wait3A_162 = tpu.memref_slice %arg7[%dma_wait3A_160, %dma_wait3A_161] : memref<80x128xi32, #tpu.memory_space<vmem>> -> memref<1x128xi32, #tpu.memory_space<vmem>>
      %dma_wait3A_163 = tpu.memref_squeeze %dma_wait3A_162 : memref<1x128xi32, #tpu.memory_space<vmem>> -> memref<128xi32, #tpu.memory_space<vmem>>
      %dma_wait3A_164 = arith.constant 0 : i32
      %dma_wait3A_165 = arith.constant 0 : i32
      %dma_wait3A_166 = tpu.memref_slice %arg2[%dma_wait3A_164, %dma_wait3A_165] : memref<10000x48xi16, #tpu.memory_space<hbm>> -> memref<10000x48xi16, #tpu.memory_space<hbm>>
      tpu.wait_indirect_dma semaphore(%arg16 : memref<!tpu.dma_semaphore, #tpu.memory_space<semaphore_mem>>) src(%dma_wait3A_166 : memref<10000x48xi16, #tpu.memory_space<hbm>>) dst(%arg11 : memref<128x48xi16, #tpu.memory_space<vmem>>)
      %add3A_167 = arith.constant 2 : i32
      %add3A_168 = arith.addi %mul3A_129, %add3A_167 : i32
      %dma_start3A_169 = arith.constant 0 : i32
      %dma_start3A_170 = tpu.memref_slice %arg8[%add3A_168, %dma_start3A_169] : memref<80x128xi32, #tpu.memory_space<vmem>> -> memref<1x128xi32, #tpu.memory_space<vmem>>
      %dma_start3A_171 = tpu.memref_squeeze %dma_start3A_170 : memref<1x128xi32, #tpu.memory_space<vmem>> -> memref<128xi32, #tpu.memory_space<vmem>>
      %dma_start3A_172 = arith.constant 0 : i32
      %dma_start3A_173 = arith.constant 0 : i32
      %dma_start3A_174 = tpu.memref_slice %arg13[%dma_start3A_172, %dma_start3A_173] : memref<10112x48xi16, #tpu.memory_space<vmem_shared>> -> memref<10112x48xi16, #tpu.memory_space<vmem_shared>>
      tpu.enqueue_indirect_dma source(%arg11 : memref<128x48xi16, #tpu.memory_space<vmem>>) target(%dma_start3A_174 : memref<10112x48xi16, #tpu.memory_space<vmem_shared>>) offsets(%dma_start3A_171 : memref<128xi32, #tpu.memory_space<vmem>>) semaphore(%arg20 : memref<!tpu.dma_semaphore, #tpu.memory_space<semaphore_mem>>) {add = true}
      %dma_wait3A_175 = arith.constant 0 : i32
      %dma_wait3A_176 = arith.constant 0 : i32
      %dma_wait3A_177 = tpu.memref_slice %arg7[%dma_wait3A_175, %dma_wait3A_176] : memref<80x128xi32, #tpu.memory_space<vmem>> -> memref<1x128xi32, #tpu.memory_space<vmem>>
      %dma_wait3A_178 = tpu.memref_squeeze %dma_wait3A_177 : memref<1x128xi32, #tpu.memory_space<vmem>> -> memref<128xi32, #tpu.memory_space<vmem>>
      %dma_wait3A_179 = arith.constant 0 : i32
      %dma_wait3A_180 = arith.constant 0 : i32
      %dma_wait3A_181 = tpu.memref_slice %arg2[%dma_wait3A_179, %dma_wait3A_180] : memref<10000x48xi16, #tpu.memory_space<hbm>> -> memref<10000x48xi16, #tpu.memory_space<hbm>>
      tpu.wait_indirect_dma semaphore(%arg17 : memref<!tpu.dma_semaphore, #tpu.memory_space<semaphore_mem>>) src(%dma_wait3A_181 : memref<10000x48xi16, #tpu.memory_space<hbm>>) dst(%arg12 : memref<128x48xi16, #tpu.memory_space<vmem>>)
      %add3A_182 = arith.constant 3 : i32
      %add3A_183 = arith.addi %mul3A_129, %add3A_182 : i32
      %dma_start3A_184 = arith.constant 0 : i32
      %dma_start3A_185 = tpu.memref_slice %arg8[%add3A_183, %dma_start3A_184] : memref<80x128xi32, #tpu.memory_space<vmem>> -> memref<1x128xi32, #tpu.memory_space<vmem>>
      %dma_start3A_186 = tpu.memref_squeeze %dma_start3A_185 : memref<1x128xi32, #tpu.memory_space<vmem>> -> memref<128xi32, #tpu.memory_space<vmem>>
      %dma_start3A_187 = arith.constant 0 : i32
      %dma_start3A_188 = arith.constant 0 : i32
      %dma_start3A_189 = tpu.memref_slice %arg13[%dma_start3A_187, %dma_start3A_188] : memref<10112x48xi16, #tpu.memory_space<vmem_shared>> -> memref<10112x48xi16, #tpu.memory_space<vmem_shared>>
      tpu.enqueue_indirect_dma source(%arg12 : memref<128x48xi16, #tpu.memory_space<vmem>>) target(%dma_start3A_189 : memref<10112x48xi16, #tpu.memory_space<vmem_shared>>) offsets(%dma_start3A_186 : memref<128xi32, #tpu.memory_space<vmem>>) semaphore(%arg21 : memref<!tpu.dma_semaphore, #tpu.memory_space<semaphore_mem>>) {add = true}
      %dma_wait3A_190 = arith.constant 0 : i32
      %dma_wait3A_191 = arith.constant 0 : i32
      %dma_wait3A_192 = tpu.memref_slice %arg8[%dma_wait3A_190, %dma_wait3A_191] : memref<80x128xi32, #tpu.memory_space<vmem>> -> memref<1x128xi32, #tpu.memory_space<vmem>>
      %dma_wait3A_193 = tpu.memref_squeeze %dma_wait3A_192 : memref<1x128xi32, #tpu.memory_space<vmem>> -> memref<128xi32, #tpu.memory_space<vmem>>
      %dma_wait3A_194 = arith.constant 0 : i32
      %dma_wait3A_195 = arith.constant 0 : i32
      %dma_wait3A_196 = tpu.memref_slice %arg13[%dma_wait3A_194, %dma_wait3A_195] : memref<10112x48xi16, #tpu.memory_space<vmem_shared>> -> memref<10112x48xi16, #tpu.memory_space<vmem_shared>>
      tpu.wait_indirect_dma semaphore(%arg18 : memref<!tpu.dma_semaphore, #tpu.memory_space<semaphore_mem>>) src(%arg9 : memref<128x48xi16, #tpu.memory_space<vmem>>) dst(%dma_wait3A_196 : memref<10112x48xi16, #tpu.memory_space<vmem_shared>>)
      %add3A_197 = arith.constant 4 : i32
      %add3A_198 = arith.addi %mul3A_129, %add3A_197 : i32
      %add3A_199 = arith.constant 0 : i32
      %add3A_200 = arith.addi %add3A_198, %add3A_199 : i32
      %dma_start3A_201 = arith.constant 0 : i32
      %dma_start3A_202 = tpu.memref_slice %arg7[%add3A_200, %dma_start3A_201] : memref<80x128xi32, #tpu.memory_space<vmem>> -> memref<1x128xi32, #tpu.memory_space<vmem>>
      %dma_start3A_203 = tpu.memref_squeeze %dma_start3A_202 : memref<1x128xi32, #tpu.memory_space<vmem>> -> memref<128xi32, #tpu.memory_space<vmem>>
      %dma_start3A_204 = arith.constant 0 : i32
      %dma_start3A_205 = arith.constant 0 : i32
      %dma_start3A_206 = tpu.memref_slice %arg2[%dma_start3A_204, %dma_start3A_205] : memref<10000x48xi16, #tpu.memory_space<hbm>> -> memref<10000x48xi16, #tpu.memory_space<hbm>>
      tpu.enqueue_indirect_dma source(%dma_start3A_206 : memref<10000x48xi16, #tpu.memory_space<hbm>>) target(%arg9 : memref<128x48xi16, #tpu.memory_space<vmem>>) offsets(%dma_start3A_203 : memref<128xi32, #tpu.memory_space<vmem>>) semaphore(%arg14 : memref<!tpu.dma_semaphore, #tpu.memory_space<semaphore_mem>>)
      %dma_wait3A_207 = arith.constant 0 : i32
      %dma_wait3A_208 = arith.constant 0 : i32
      %dma_wait3A_209 = tpu.memref_slice %arg8[%dma_wait3A_207, %dma_wait3A_208] : memref<80x128xi32, #tpu.memory_space<vmem>> -> memref<1x128xi32, #tpu.memory_space<vmem>>
      %dma_wait3A_210 = tpu.memref_squeeze %dma_wait3A_209 : memref<1x128xi32, #tpu.memory_space<vmem>> -> memref<128xi32, #tpu.memory_space<vmem>>
      %dma_wait3A_211 = arith.constant 0 : i32
      %dma_wait3A_212 = arith.constant 0 : i32
      %dma_wait3A_213 = tpu.memref_slice %arg13[%dma_wait3A_211, %dma_wait3A_212] : memref<10112x48xi16, #tpu.memory_space<vmem_shared>> -> memref<10112x48xi16, #tpu.memory_space<vmem_shared>>
      tpu.wait_indirect_dma semaphore(%arg19 : memref<!tpu.dma_semaphore, #tpu.memory_space<semaphore_mem>>) src(%arg10 : memref<128x48xi16, #tpu.memory_space<vmem>>) dst(%dma_wait3A_213 : memref<10112x48xi16, #tpu.memory_space<vmem_shared>>)
      %add3A_214 = arith.constant 4 : i32
      %add3A_215 = arith.addi %mul3A_129, %add3A_214 : i32
      %add3A_216 = arith.constant 1 : i32
      %add3A_217 = arith.addi %add3A_215, %add3A_216 : i32
      %dma_start3A_218 = arith.constant 0 : i32
      %dma_start3A_219 = tpu.memref_slice %arg7[%add3A_217, %dma_start3A_218] : memref<80x128xi32, #tpu.memory_space<vmem>> -> memref<1x128xi32, #tpu.memory_space<vmem>>
      %dma_start3A_220 = tpu.memref_squeeze %dma_start3A_219 : memref<1x128xi32, #tpu.memory_space<vmem>> -> memref<128xi32, #tpu.memory_space<vmem>>
      %dma_start3A_221 = arith.constant 0 : i32
      %dma_start3A_222 = arith.constant 0 : i32
      %dma_start3A_223 = tpu.memref_slice %arg2[%dma_start3A_221, %dma_start3A_222] : memref<10000x48xi16, #tpu.memory_space<hbm>> -> memref<10000x48xi16, #tpu.memory_space<hbm>>
      tpu.enqueue_indirect_dma source(%dma_start3A_223 : memref<10000x48xi16, #tpu.memory_space<hbm>>) target(%arg10 : memref<128x48xi16, #tpu.memory_space<vmem>>) offsets(%dma_start3A_220 : memref<128xi32, #tpu.memory_space<vmem>>) semaphore(%arg15 : memref<!tpu.dma_semaphore, #tpu.memory_space<semaphore_mem>>)
      %dma_wait3A_224 = arith.constant 0 : i32
      %dma_wait3A_225 = arith.constant 0 : i32
      %dma_wait3A_226 = tpu.memref_slice %arg8[%dma_wait3A_224, %dma_wait3A_225] : memref<80x128xi32, #tpu.memory_space<vmem>> -> memref<1x128xi32, #tpu.memory_space<vmem>>
      %dma_wait3A_227 = tpu.memref_squeeze %dma_wait3A_226 : memref<1x128xi32, #tpu.memory_space<vmem>> -> memref<128xi32, #tpu.memory_space<vmem>>
      %dma_wait3A_228 = arith.constant 0 : i32
      %dma_wait3A_229 = arith.constant 0 : i32
      %dma_wait3A_230 = tpu.memref_slice %arg13[%dma_wait3A_228, %dma_wait3A_229] : memref<10112x48xi16, #tpu.memory_space<vmem_shared>> -> memref<10112x48xi16, #tpu.memory_space<vmem_shared>>
      tpu.wait_indirect_dma semaphore(%arg20 : memref<!tpu.dma_semaphore, #tpu.memory_space<semaphore_mem>>) src(%arg11 : memref<128x48xi16, #tpu.memory_space<vmem>>) dst(%dma_wait3A_230 : memref<10112x48xi16, #tpu.memory_space<vmem_shared>>)
      %add3A_231 = arith.constant 4 : i32
      %add3A_232 = arith.addi %mul3A_129, %add3A_231 : i32
      %add3A_233 = arith.constant 2 : i32
      %add3A_234 = arith.addi %add3A_232, %add3A_233 : i32
      %dma_start3A_235 = arith.constant 0 : i32
      %dma_start3A_236 = tpu.memref_slice %arg7[%add3A_234, %dma_start3A_235] : memref<80x128xi32, #tpu.memory_space<vmem>> -> memref<1x128xi32, #tpu.memory_space<vmem>>
      %dma_start3A_237 = tpu.memref_squeeze %dma_start3A_236 : memref<1x128xi32, #tpu.memory_space<vmem>> -> memref<128xi32, #tpu.memory_space<vmem>>
      %dma_start3A_238 = arith.constant 0 : i32
      %dma_start3A_239 = arith.constant 0 : i32
      %dma_start3A_240 = tpu.memref_slice %arg2[%dma_start3A_238, %dma_start3A_239] : memref<10000x48xi16, #tpu.memory_space<hbm>> -> memref<10000x48xi16, #tpu.memory_space<hbm>>
      tpu.enqueue_indirect_dma source(%dma_start3A_240 : memref<10000x48xi16, #tpu.memory_space<hbm>>) target(%arg11 : memref<128x48xi16, #tpu.memory_space<vmem>>) offsets(%dma_start3A_237 : memref<128xi32, #tpu.memory_space<vmem>>) semaphore(%arg16 : memref<!tpu.dma_semaphore, #tpu.memory_space<semaphore_mem>>)
      %dma_wait3A_241 = arith.constant 0 : i32
      %dma_wait3A_242 = arith.constant 0 : i32
      %dma_wait3A_243 = tpu.memref_slice %arg8[%dma_wait3A_241, %dma_wait3A_242] : memref<80x128xi32, #tpu.memory_space<vmem>> -> memref<1x128xi32, #tpu.memory_space<vmem>>
      %dma_wait3A_244 = tpu.memref_squeeze %dma_wait3A_243 : memref<1x128xi32, #tpu.memory_space<vmem>> -> memref<128xi32, #tpu.memory_space<vmem>>
      %dma_wait3A_245 = arith.constant 0 : i32
      %dma_wait3A_246 = arith.constant 0 : i32
      %dma_wait3A_247 = tpu.memref_slice %arg13[%dma_wait3A_245, %dma_wait3A_246] : memref<10112x48xi16, #tpu.memory_space<vmem_shared>> -> memref<10112x48xi16, #tpu.memory_space<vmem_shared>>
      tpu.wait_indirect_dma semaphore(%arg21 : memref<!tpu.dma_semaphore, #tpu.memory_space<semaphore_mem>>) src(%arg12 : memref<128x48xi16, #tpu.memory_space<vmem>>) dst(%dma_wait3A_247 : memref<10112x48xi16, #tpu.memory_space<vmem_shared>>)
      %add3A_248 = arith.constant 4 : i32
      %add3A_249 = arith.addi %mul3A_129, %add3A_248 : i32
      %add3A_250 = arith.constant 3 : i32
      %add3A_251 = arith.addi %add3A_249, %add3A_250 : i32
      %dma_start3A_252 = arith.constant 0 : i32
      %dma_start3A_253 = tpu.memref_slice %arg7[%add3A_251, %dma_start3A_252] : memref<80x128xi32, #tpu.memory_space<vmem>> -> memref<1x128xi32, #tpu.memory_space<vmem>>
      %dma_start3A_254 = tpu.memref_squeeze %dma_start3A_253 : memref<1x128xi32, #tpu.memory_space<vmem>> -> memref<128xi32, #tpu.memory_space<vmem>>
      %dma_start3A_255 = arith.constant 0 : i32
      %dma_start3A_256 = arith.constant 0 : i32
      %dma_start3A_257 = tpu.memref_slice %arg2[%dma_start3A_255, %dma_start3A_256] : memref<10000x48xi16, #tpu.memory_space<hbm>> -> memref<10000x48xi16, #tpu.memory_space<hbm>>
      tpu.enqueue_indirect_dma source(%dma_start3A_257 : memref<10000x48xi16, #tpu.memory_space<hbm>>) target(%arg12 : memref<128x48xi16, #tpu.memory_space<vmem>>) offsets(%dma_start3A_254 : memref<128xi32, #tpu.memory_space<vmem>>) semaphore(%arg17 : memref<!tpu.dma_semaphore, #tpu.memory_space<semaphore_mem>>)
    }
    %scan3A_42 = arith.constant 19 : i32
    %dma_wait3A = arith.constant 0 : i32
    %dma_wait3A_43 = arith.constant 0 : i32
    %dma_wait3A_44 = tpu.memref_slice %arg7[%dma_wait3A, %dma_wait3A_43] : memref<80x128xi32, #tpu.memory_space<vmem>> -> memref<1x128xi32, #tpu.memory_space<vmem>>
    %dma_wait3A_45 = tpu.memref_squeeze %dma_wait3A_44 : memref<1x128xi32, #tpu.memory_space<vmem>> -> memref<128xi32, #tpu.memory_space<vmem>>
    %dma_wait3A_46 = arith.constant 0 : i32
    %dma_wait3A_47 = arith.constant 0 : i32
    %dma_wait3A_48 = tpu.memref_slice %arg2[%dma_wait3A_46, %dma_wait3A_47] : memref<10000x48xi16, #tpu.memory_space<hbm>> -> memref<10000x48xi16, #tpu.memory_space<hbm>>
    tpu.wait_indirect_dma semaphore(%arg14 : memref<!tpu.dma_semaphore, #tpu.memory_space<semaphore_mem>>) src(%dma_wait3A_48 : memref<10000x48xi16, #tpu.memory_space<hbm>>) dst(%arg9 : memref<128x48xi16, #tpu.memory_space<vmem>>)
    %dma_start3A_49 = arith.constant 76 : i32
    %dma_start3A_50 = arith.constant 0 : i32
    %dma_start3A_51 = tpu.memref_slice %arg8[%dma_start3A_49, %dma_start3A_50] : memref<80x128xi32, #tpu.memory_space<vmem>> -> memref<1x128xi32, #tpu.memory_space<vmem>>
    %dma_start3A_52 = tpu.memref_squeeze %dma_start3A_51 : memref<1x128xi32, #tpu.memory_space<vmem>> -> memref<128xi32, #tpu.memory_space<vmem>>
    %dma_start3A_53 = arith.constant 0 : i32
    %dma_start3A_54 = arith.constant 0 : i32
    %dma_start3A_55 = tpu.memref_slice %arg13[%dma_start3A_53, %dma_start3A_54] : memref<10112x48xi16, #tpu.memory_space<vmem_shared>> -> memref<10112x48xi16, #tpu.memory_space<vmem_shared>>
    tpu.enqueue_indirect_dma source(%arg9 : memref<128x48xi16, #tpu.memory_space<vmem>>) target(%dma_start3A_55 : memref<10112x48xi16, #tpu.memory_space<vmem_shared>>) offsets(%dma_start3A_52 : memref<128xi32, #tpu.memory_space<vmem>>) semaphore(%arg18 : memref<!tpu.dma_semaphore, #tpu.memory_space<semaphore_mem>>) {add = true}
    %dma_wait3A_56 = arith.constant 0 : i32
    %dma_wait3A_57 = arith.constant 0 : i32
    %dma_wait3A_58 = tpu.memref_slice %arg7[%dma_wait3A_56, %dma_wait3A_57] : memref<80x128xi32, #tpu.memory_space<vmem>> -> memref<1x128xi32, #tpu.memory_space<vmem>>
    %dma_wait3A_59 = tpu.memref_squeeze %dma_wait3A_58 : memref<1x128xi32, #tpu.memory_space<vmem>> -> memref<128xi32, #tpu.memory_space<vmem>>
    %dma_wait3A_60 = arith.constant 0 : i32
    %dma_wait3A_61 = arith.constant 0 : i32
    %dma_wait3A_62 = tpu.memref_slice %arg2[%dma_wait3A_60, %dma_wait3A_61] : memref<10000x48xi16, #tpu.memory_space<hbm>> -> memref<10000x48xi16, #tpu.memory_space<hbm>>
    tpu.wait_indirect_dma semaphore(%arg15 : memref<!tpu.dma_semaphore, #tpu.memory_space<semaphore_mem>>) src(%dma_wait3A_62 : memref<10000x48xi16, #tpu.memory_space<hbm>>) dst(%arg10 : memref<128x48xi16, #tpu.memory_space<vmem>>)
    %dma_start3A_63 = arith.constant 77 : i32
    %dma_start3A_64 = arith.constant 0 : i32
    %dma_start3A_65 = tpu.memref_slice %arg8[%dma_start3A_63, %dma_start3A_64] : memref<80x128xi32, #tpu.memory_space<vmem>> -> memref<1x128xi32, #tpu.memory_space<vmem>>
    %dma_start3A_66 = tpu.memref_squeeze %dma_start3A_65 : memref<1x128xi32, #tpu.memory_space<vmem>> -> memref<128xi32, #tpu.memory_space<vmem>>
    %dma_start3A_67 = arith.constant 0 : i32
    %dma_start3A_68 = arith.constant 0 : i32
    %dma_start3A_69 = tpu.memref_slice %arg13[%dma_start3A_67, %dma_start3A_68] : memref<10112x48xi16, #tpu.memory_space<vmem_shared>> -> memref<10112x48xi16, #tpu.memory_space<vmem_shared>>
    tpu.enqueue_indirect_dma source(%arg10 : memref<128x48xi16, #tpu.memory_space<vmem>>) target(%dma_start3A_69 : memref<10112x48xi16, #tpu.memory_space<vmem_shared>>) offsets(%dma_start3A_66 : memref<128xi32, #tpu.memory_space<vmem>>) semaphore(%arg19 : memref<!tpu.dma_semaphore, #tpu.memory_space<semaphore_mem>>) {add = true}
    %dma_wait3A_70 = arith.constant 0 : i32
    %dma_wait3A_71 = arith.constant 0 : i32
    %dma_wait3A_72 = tpu.memref_slice %arg7[%dma_wait3A_70, %dma_wait3A_71] : memref<80x128xi32, #tpu.memory_space<vmem>> -> memref<1x128xi32, #tpu.memory_space<vmem>>
    %dma_wait3A_73 = tpu.memref_squeeze %dma_wait3A_72 : memref<1x128xi32, #tpu.memory_space<vmem>> -> memref<128xi32, #tpu.memory_space<vmem>>
    %dma_wait3A_74 = arith.constant 0 : i32
    %dma_wait3A_75 = arith.constant 0 : i32
    %dma_wait3A_76 = tpu.memref_slice %arg2[%dma_wait3A_74, %dma_wait3A_75] : memref<10000x48xi16, #tpu.memory_space<hbm>> -> memref<10000x48xi16, #tpu.memory_space<hbm>>
    tpu.wait_indirect_dma semaphore(%arg16 : memref<!tpu.dma_semaphore, #tpu.memory_space<semaphore_mem>>) src(%dma_wait3A_76 : memref<10000x48xi16, #tpu.memory_space<hbm>>) dst(%arg11 : memref<128x48xi16, #tpu.memory_space<vmem>>)
    %dma_start3A_77 = arith.constant 78 : i32
    %dma_start3A_78 = arith.constant 0 : i32
    %dma_start3A_79 = tpu.memref_slice %arg8[%dma_start3A_77, %dma_start3A_78] : memref<80x128xi32, #tpu.memory_space<vmem>> -> memref<1x128xi32, #tpu.memory_space<vmem>>
    %dma_start3A_80 = tpu.memref_squeeze %dma_start3A_79 : memref<1x128xi32, #tpu.memory_space<vmem>> -> memref<128xi32, #tpu.memory_space<vmem>>
    %dma_start3A_81 = arith.constant 0 : i32
    %dma_start3A_82 = arith.constant 0 : i32
    %dma_start3A_83 = tpu.memref_slice %arg13[%dma_start3A_81, %dma_start3A_82] : memref<10112x48xi16, #tpu.memory_space<vmem_shared>> -> memref<10112x48xi16, #tpu.memory_space<vmem_shared>>
    tpu.enqueue_indirect_dma source(%arg11 : memref<128x48xi16, #tpu.memory_space<vmem>>) target(%dma_start3A_83 : memref<10112x48xi16, #tpu.memory_space<vmem_shared>>) offsets(%dma_start3A_80 : memref<128xi32, #tpu.memory_space<vmem>>) semaphore(%arg20 : memref<!tpu.dma_semaphore, #tpu.memory_space<semaphore_mem>>) {add = true}
    %dma_wait3A_84 = arith.constant 0 : i32
    %dma_wait3A_85 = arith.constant 0 : i32
    %dma_wait3A_86 = tpu.memref_slice %arg7[%dma_wait3A_84, %dma_wait3A_85] : memref<80x128xi32, #tpu.memory_space<vmem>> -> memref<1x128xi32, #tpu.memory_space<vmem>>
    %dma_wait3A_87 = tpu.memref_squeeze %dma_wait3A_86 : memref<1x128xi32, #tpu.memory_space<vmem>> -> memref<128xi32, #tpu.memory_space<vmem>>
    %dma_wait3A_88 = arith.constant 0 : i32
    %dma_wait3A_89 = arith.constant 0 : i32
    %dma_wait3A_90 = tpu.memref_slice %arg2[%dma_wait3A_88, %dma_wait3A_89] : memref<10000x48xi16, #tpu.memory_space<hbm>> -> memref<10000x48xi16, #tpu.memory_space<hbm>>
    tpu.wait_indirect_dma semaphore(%arg17 : memref<!tpu.dma_semaphore, #tpu.memory_space<semaphore_mem>>) src(%dma_wait3A_90 : memref<10000x48xi16, #tpu.memory_space<hbm>>) dst(%arg12 : memref<128x48xi16, #tpu.memory_space<vmem>>)
    %dma_start3A_91 = arith.constant 79 : i32
    %dma_start3A_92 = arith.constant 0 : i32
    %dma_start3A_93 = tpu.memref_slice %arg8[%dma_start3A_91, %dma_start3A_92] : memref<80x128xi32, #tpu.memory_space<vmem>> -> memref<1x128xi32, #tpu.memory_space<vmem>>
    %dma_start3A_94 = tpu.memref_squeeze %dma_start3A_93 : memref<1x128xi32, #tpu.memory_space<vmem>> -> memref<128xi32, #tpu.memory_space<vmem>>
    %dma_start3A_95 = arith.constant 0 : i32
    %dma_start3A_96 = arith.constant 0 : i32
    %dma_start3A_97 = tpu.memref_slice %arg13[%dma_start3A_95, %dma_start3A_96] : memref<10112x48xi16, #tpu.memory_space<vmem_shared>> -> memref<10112x48xi16, #tpu.memory_space<vmem_shared>>
    tpu.enqueue_indirect_dma source(%arg12 : memref<128x48xi16, #tpu.memory_space<vmem>>) target(%dma_start3A_97 : memref<10112x48xi16, #tpu.memory_space<vmem_shared>>) offsets(%dma_start3A_94 : memref<128xi32, #tpu.memory_space<vmem>>) semaphore(%arg21 : memref<!tpu.dma_semaphore, #tpu.memory_space<semaphore_mem>>) {add = true}
    %dma_wait3A_98 = arith.constant 0 : i32
    %dma_wait3A_99 = arith.constant 0 : i32
    %dma_wait3A_100 = tpu.memref_slice %arg8[%dma_wait3A_98, %dma_wait3A_99] : memref<80x128xi32, #tpu.memory_space<vmem>> -> memref<1x128xi32, #tpu.memory_space<vmem>>
    %dma_wait3A_101 = tpu.memref_squeeze %dma_wait3A_100 : memref<1x128xi32, #tpu.memory_space<vmem>> -> memref<128xi32, #tpu.memory_space<vmem>>
    %dma_wait3A_102 = arith.constant 0 : i32
    %dma_wait3A_103 = arith.constant 0 : i32
    %dma_wait3A_104 = tpu.memref_slice %arg13[%dma_wait3A_102, %dma_wait3A_103] : memref<10112x48xi16, #tpu.memory_space<vmem_shared>> -> memref<10112x48xi16, #tpu.memory_space<vmem_shared>>
    tpu.wait_indirect_dma semaphore(%arg18 : memref<!tpu.dma_semaphore, #tpu.memory_space<semaphore_mem>>) src(%arg9 : memref<128x48xi16, #tpu.memory_space<vmem>>) dst(%dma_wait3A_104 : memref<10112x48xi16, #tpu.memory_space<vmem_shared>>)
    %dma_wait3A_105 = arith.constant 0 : i32
    %dma_wait3A_106 = arith.constant 0 : i32
    %dma_wait3A_107 = tpu.memref_slice %arg8[%dma_wait3A_105, %dma_wait3A_106] : memref<80x128xi32, #tpu.memory_space<vmem>> -> memref<1x128xi32, #tpu.memory_space<vmem>>
    %dma_wait3A_108 = tpu.memref_squeeze %dma_wait3A_107 : memref<1x128xi32, #tpu.memory_space<vmem>> -> memref<128xi32, #tpu.memory_space<vmem>>
    %dma_wait3A_109 = arith.constant 0 : i32
    %dma_wait3A_110 = arith.constant 0 : i32
    %dma_wait3A_111 = tpu.memref_slice %arg13[%dma_wait3A_109, %dma_wait3A_110] : memref<10112x48xi16, #tpu.memory_space<vmem_shared>> -> memref<10112x48xi16, #tpu.memory_space<vmem_shared>>
    tpu.wait_indirect_dma semaphore(%arg19 : memref<!tpu.dma_semaphore, #tpu.memory_space<semaphore_mem>>) src(%arg10 : memref<128x48xi16, #tpu.memory_space<vmem>>) dst(%dma_wait3A_111 : memref<10112x48xi16, #tpu.memory_space<vmem_shared>>)
    %dma_wait3A_112 = arith.constant 0 : i32
    %dma_wait3A_113 = arith.constant 0 : i32
    %dma_wait3A_114 = tpu.memref_slice %arg8[%dma_wait3A_112, %dma_wait3A_113] : memref<80x128xi32, #tpu.memory_space<vmem>> -> memref<1x128xi32, #tpu.memory_space<vmem>>
    %dma_wait3A_115 = tpu.memref_squeeze %dma_wait3A_114 : memref<1x128xi32, #tpu.memory_space<vmem>> -> memref<128xi32, #tpu.memory_space<vmem>>
    %dma_wait3A_116 = arith.constant 0 : i32
    %dma_wait3A_117 = arith.constant 0 : i32
    %dma_wait3A_118 = tpu.memref_slice %arg13[%dma_wait3A_116, %dma_wait3A_117] : memref<10112x48xi16, #tpu.memory_space<vmem_shared>> -> memref<10112x48xi16, #tpu.memory_space<vmem_shared>>
    tpu.wait_indirect_dma semaphore(%arg20 : memref<!tpu.dma_semaphore, #tpu.memory_space<semaphore_mem>>) src(%arg11 : memref<128x48xi16, #tpu.memory_space<vmem>>) dst(%dma_wait3A_118 : memref<10112x48xi16, #tpu.memory_space<vmem_shared>>)
    %dma_wait3A_119 = arith.constant 0 : i32
    %dma_wait3A_120 = arith.constant 0 : i32
    %dma_wait3A_121 = tpu.memref_slice %arg8[%dma_wait3A_119, %dma_wait3A_120] : memref<80x128xi32, #tpu.memory_space<vmem>> -> memref<1x128xi32, #tpu.memory_space<vmem>>
    %dma_wait3A_122 = tpu.memref_squeeze %dma_wait3A_121 : memref<1x128xi32, #tpu.memory_space<vmem>> -> memref<128xi32, #tpu.memory_space<vmem>>
    %dma_wait3A_123 = arith.constant 0 : i32
    %dma_wait3A_124 = arith.constant 0 : i32
    %dma_wait3A_125 = tpu.memref_slice %arg13[%dma_wait3A_123, %dma_wait3A_124] : memref<10112x48xi16, #tpu.memory_space<vmem_shared>> -> memref<10112x48xi16, #tpu.memory_space<vmem_shared>>
    tpu.wait_indirect_dma semaphore(%arg21 : memref<!tpu.dma_semaphore, #tpu.memory_space<semaphore_mem>>) src(%arg12 : memref<128x48xi16, #tpu.memory_space<vmem>>) dst(%dma_wait3A_125 : memref<10112x48xi16, #tpu.memory_space<vmem_shared>>)
    %barrier3A_126 = arith.constant 0 : index
    tpu.barrier barrier_id(%barrier3A_126)
    "tpu.region"() ({
      %run_scoped3A = tpu.sem_alloc : memref<!tpu.dma_semaphore, #tpu.memory_space<semaphore_mem>>
      %dma_start3A_127 = arith.constant 0 : i32
      %dma_start3A_128 = tpu.memref_slice %arg6[%arg0, %mul3A_2, %dma_start3A_127] : memref<2x10112x48xi16, #tpu.memory_space<hbm>> -> memref<1x632x48xi16, #tpu.memory_space<hbm>>
      %dma_start3A_129 = tpu.memref_squeeze %dma_start3A_128 : memref<1x632x48xi16, #tpu.memory_space<hbm>> -> memref<632x48xi16, #tpu.memory_space<hbm>>
      %dma_start3A_130 = arith.constant 0 : i32
      %dma_start3A_131 = tpu.memref_slice %arg13[%mul3A_2, %dma_start3A_130] : memref<10112x48xi16, #tpu.memory_space<vmem_shared>> -> memref<632x48xi16, #tpu.memory_space<vmem_shared>>
      tpu.enqueue_dma source(%dma_start3A_131 : memref<632x48xi16, #tpu.memory_space<vmem_shared>>) target(%dma_start3A_129 : memref<632x48xi16, #tpu.memory_space<hbm>>) target_semaphore(%run_scoped3A : memref<!tpu.dma_semaphore, #tpu.memory_space<semaphore_mem>>)
      %dma_wait3A_132 = arith.constant 0 : i32
      %dma_wait3A_133 = tpu.memref_slice %arg6[%arg0, %mul3A_2, %dma_wait3A_132] : memref<2x10112x48xi16, #tpu.memory_space<hbm>> -> memref<1x632x48xi16, #tpu.memory_space<hbm>>
      %dma_wait3A_134 = tpu.memref_squeeze %dma_wait3A_133 : memref<1x632x48xi16, #tpu.memory_space<hbm>> -> memref<632x48xi16, #tpu.memory_space<hbm>>
      %dma_wait3A_135 = arith.constant 0 : i32
      %dma_wait3A_136 = tpu.memref_slice %arg13[%mul3A_2, %dma_wait3A_135] : memref<10112x48xi16, #tpu.memory_space<vmem_shared>> -> memref<632x48xi16, #tpu.memory_space<vmem_shared>>
      tpu.wait_dma2 semaphore(%run_scoped3A : memref<!tpu.dma_semaphore, #tpu.memory_space<semaphore_mem>>) src(%dma_wait3A_136 : memref<632x48xi16, #tpu.memory_space<vmem_shared>>) dst(%dma_wait3A_134 : memref<632x48xi16, #tpu.memory_space<hbm>>)
      tpu.yield
    }) : () -> ()
    return
  }
}

module attributes {stable_mosaic.version = 14 : i64} {
  func.func @_lin1_body(%arg0: memref<10000x128xf32, #tpu.memory_space<vmem>>, %arg1: memref<128x64xf32, #tpu.memory_space<vmem>>, %arg2: memref<1x64xf32, #tpu.memory_space<vmem>>, %arg3: memref<10000x64xf32, #tpu.memory_space<vmem>>, %arg4: memref<10000x80xi16, #tpu.memory_space<vmem>>) attributes {dimension_semantics = [], scalar_prefetch = 0 : i64, scratch_operands = 0 : i64, tpu.core_type = #tpu.core_type<tc>} {
    %get3A = arith.constant 0 : index
    %get3A_0 = arith.constant 0 : index
    %get3A_1 = vector.load %arg0[%get3A, %get3A_0] : memref<10000x128xf32, #tpu.memory_space<vmem>>, vector<10000x128xf32>
    %get3A_2 = arith.constant 0 : index
    %get3A_3 = arith.constant 0 : index
    %get3A_4 = vector.load %arg1[%get3A_2, %get3A_3] : memref<128x64xf32, #tpu.memory_space<vmem>>, vector<128x64xf32>
    %dot_general3A = arith.constant dense<0.000000e+00> : vector<10000x64xf32>
    %dot_general3A_5 = tpu.matmul %get3A_1, %get3A_4, %dot_general3A {dimension_numbers = #tpu.dot_dimension_numbers<[1], [0], [0], [1], [0, 0, 1, 1], [], []>, transpose_lhs_hint = false} : vector<10000x128xf32>, vector<128x64xf32>, vector<10000x64xf32> -> vector<10000x64xf32>
    %get3A_6 = arith.constant 0 : index
    %get3A_7 = arith.constant 0 : index
    %get3A_8 = vector.load %arg2[%get3A_6, %get3A_7] : memref<1x64xf32, #tpu.memory_space<vmem>>, vector<1x64xf32>
    %add3A = vector.broadcast %get3A_8 : vector<1x64xf32> to vector<10000x64xf32>
    %add3A_9 = arith.addf %dot_general3A_5, %add3A : vector<10000x64xf32>
    %swap3A = arith.constant 0 : index
    %swap3A_10 = arith.constant 0 : index
    %swap3A_11 = vector.load %arg3[%swap3A, %swap3A_10] : memref<10000x64xf32, #tpu.memory_space<vmem>>, vector<10000x64xf32>
    tpu.vector_store %arg3[%swap3A, %swap3A_10], %add3A_9 {strides = array<i32>} : memref<10000x64xf32, #tpu.memory_space<vmem>>, vector<10000x64xf32>,
    %mul3A = arith.constant 6.400000e+01 : f32
    %mul3A_12 = vector.broadcast %mul3A : f32 to vector<10000x64xf32>
    %mul3A_13 = arith.mulf %add3A_9, %mul3A_12 : vector<10000x64xf32>
    %round3A = math.roundeven %mul3A_13 : vector<10000x64xf32>
    %convert_element_type3A = arith.fptosi %round3A : vector<10000x64xf32> to vector<10000x64xi16>
    %broadcast_in_dim3A = arith.constant 64 : i16
    %broadcast_in_dim3A_14 = vector.broadcast %broadcast_in_dim3A : i16 to vector<10000x16xi16>
    %concatenate3A = tpu.concatenate %convert_element_type3A, %broadcast_in_dim3A_14 in 1 : vector<10000x64xi16>, vector<10000x16xi16> -> vector<10000x80xi16>
    %swap3A_15 = arith.constant 0 : index
    %swap3A_16 = arith.constant 0 : index
    %swap3A_17 = vector.load %arg4[%swap3A_15, %swap3A_16] : memref<10000x80xi16, #tpu.memory_space<vmem>>, vector<10000x80xi16>
    tpu.vector_store %arg4[%swap3A_15, %swap3A_16], %concatenate3A {strides = array<i32>} : memref<10000x80xi16, #tpu.memory_space<vmem>>, vector<10000x80xi16>,
    return
  }
}

module attributes {stable_mosaic.version = 14 : i64} {
  func.func @_combine1_body(%arg0: memref<10000x64xf32, #tpu.memory_space<vmem>>, %arg1: memref<2x10112x80xi16, #tpu.memory_space<vmem>>, %arg2: memref<128x64xf32, #tpu.memory_space<vmem>>, %arg3: memref<1x64xf32, #tpu.memory_space<vmem>>, %arg4: memref<64x32xf32, #tpu.memory_space<vmem>>, %arg5: memref<1x32xf32, #tpu.memory_space<vmem>>, %arg6: memref<10000x32xf32, #tpu.memory_space<vmem>>, %arg7: memref<10000x48xi16, #tpu.memory_space<vmem>>, %arg8: memref<10000x8xf32, #tpu.memory_space<vmem>>) attributes {dimension_semantics = [], scalar_prefetch = 0 : i64, scratch_operands = 0 : i64, tpu.core_type = #tpu.core_type<tc>} {
    %get3A = arith.constant 0 : index
    %get3A_0 = arith.constant 0 : index
    %get3A_1 = vector.load %arg0[%get3A, %get3A_0] : memref<10000x64xf32, #tpu.memory_space<vmem>>, vector<10000x64xf32>
    %get3A_2 = arith.constant 0 : index
    %get3A_3 = arith.constant 0 : index
    %get3A_4 = arith.constant 0 : index
    %get3A_5 = vector.load %arg1[%get3A_2, %get3A_3, %get3A_4] : memref<2x10112x80xi16, #tpu.memory_space<vmem>>, vector<1x10000x80xi16>
    %get3A_6 = vector.shape_cast %get3A_5 : vector<1x10000x80xi16> to vector<10000x80xi16>
    %convert_element_type3A = arith.sitofp %get3A_6 : vector<10000x80xi16> to vector<10000x80xf32>
    %get3A_7 = arith.constant 1 : index
    %get3A_8 = arith.constant 0 : index
    %get3A_9 = arith.constant 0 : index
    %get3A_10 = vector.load %arg1[%get3A_7, %get3A_8, %get3A_9] : memref<2x10112x80xi16, #tpu.memory_space<vmem>>, vector<1x10000x80xi16>
    %get3A_11 = vector.shape_cast %get3A_10 : vector<1x10000x80xi16> to vector<10000x80xi16>
    %convert_element_type3A_12 = arith.sitofp %get3A_11 : vector<10000x80xi16> to vector<10000x80xf32>
    %add3A = arith.addf %convert_element_type3A, %convert_element_type3A_12 : vector<10000x80xf32>
    %slice3A = vector.extract_strided_slice %add3A {offsets = [0, 64], sizes = [10000, 1], strides = [1, 1]} : vector<10000x80xf32> to vector<10000x1xf32>
    %mul3A = arith.constant 1.562500e-02 : f32
    %mul3A_13 = vector.broadcast %mul3A : f32 to vector<10000x1xf32>
    %mul3A_14 = arith.mulf %slice3A, %mul3A_13 : vector<10000x1xf32>
    %add3A_15 = arith.constant 1.000000e+00 : f32
    %add3A_16 = vector.broadcast %add3A_15 : f32 to vector<10000x1xf32>
    %add3A_17 = arith.addf %mul3A_14, %add3A_16 : vector<10000x1xf32>
    %div3A = arith.constant 1.000000e+00 : f32
    %div3A_18 = vector.broadcast %div3A : f32 to vector<10000x1xf32>
    %div3A_19 = arith.divf %div3A_18, %add3A_17 : vector<10000x1xf32>
    %slice3A_20 = vector.extract_strided_slice %add3A {offsets = [0, 0], sizes = [10000, 64], strides = [1, 1]} : vector<10000x80xf32> to vector<10000x64xf32>
    %mul3A_21 = arith.constant 1.562500e-02 : f32
    %mul3A_22 = vector.broadcast %mul3A_21 : f32 to vector<10000x64xf32>
    %mul3A_23 = arith.mulf %slice3A_20, %mul3A_22 : vector<10000x64xf32>
    %add3A_24 = arith.addf %mul3A_23, %get3A_1 : vector<10000x64xf32>
    %mul3A_25 = vector.broadcast %div3A_19 : vector<10000x1xf32> to vector<10000x64xf32>
    %mul3A_26 = arith.mulf %add3A_24, %mul3A_25 : vector<10000x64xf32>
    %get3A_27 = arith.constant 0 : index
    %get3A_28 = arith.constant 0 : index
    %get3A_29 = vector.load %arg2[%get3A_27, %get3A_28] : memref<128x64xf32, #tpu.memory_space<vmem>>, vector<128x64xf32>
    %slice3A_30 = vector.extract_strided_slice %get3A_29 {offsets = [0, 0], sizes = [64, 64], strides = [1, 1]} : vector<128x64xf32> to vector<64x64xf32>
    %dot_general3A = arith.constant dense<0.000000e+00> : vector<10000x64xf32>
    %dot_general3A_31 = tpu.matmul %get3A_1, %slice3A_30, %dot_general3A {dimension_numbers = #tpu.dot_dimension_numbers<[1], [0], [0], [1], [0, 0, 1, 1], [], []>, transpose_lhs_hint = false} : vector<10000x64xf32>, vector<64x64xf32>, vector<10000x64xf32> -> vector<10000x64xf32>
    %slice3A_32 = vector.extract_strided_slice %get3A_29 {offsets = [64, 0], sizes = [64, 64], strides = [1, 1]} : vector<128x64xf32> to vector<64x64xf32>
    %dot_general3A_33 = arith.constant dense<0.000000e+00> : vector<10000x64xf32>
    %dot_general3A_34 = tpu.matmul %mul3A_26, %slice3A_32, %dot_general3A_33 {dimension_numbers = #tpu.dot_dimension_numbers<[1], [0], [0], [1], [0, 0, 1, 1], [], []>, transpose_lhs_hint = false} : vector<10000x64xf32>, vector<64x64xf32>, vector<10000x64xf32> -> vector<10000x64xf32>
    %add3A_35 = arith.addf %dot_general3A_31, %dot_general3A_34 : vector<10000x64xf32>
    %get3A_36 = arith.constant 0 : index
    %get3A_37 = arith.constant 0 : index
    %get3A_38 = vector.load %arg3[%get3A_36, %get3A_37] : memref<1x64xf32, #tpu.memory_space<vmem>>, vector<1x64xf32>
    %add3A_39 = vector.broadcast %get3A_38 : vector<1x64xf32> to vector<10000x64xf32>
    %add3A_40 = arith.addf %add3A_35, %add3A_39 : vector<10000x64xf32>
    %max3A = arith.constant 0.000000e+00 : f32
    %max3A_41 = vector.broadcast %max3A : f32 to vector<10000x64xf32>
    %max3A_42 = arith.maximumf %add3A_40, %max3A_41 : vector<10000x64xf32>
    %get3A_43 = arith.constant 0 : index
    %get3A_44 = arith.constant 0 : index
    %get3A_45 = vector.load %arg4[%get3A_43, %get3A_44] : memref<64x32xf32, #tpu.memory_space<vmem>>, vector<64x32xf32>
    %dot_general3A_46 = arith.constant dense<0.000000e+00> : vector<10000x32xf32>
    %dot_general3A_47 = tpu.matmul %max3A_42, %get3A_45, %dot_general3A_46 {dimension_numbers = #tpu.dot_dimension_numbers<[1], [0], [0], [1], [0, 0, 1, 1], [], []>, transpose_lhs_hint = false} : vector<10000x64xf32>, vector<64x32xf32>, vector<10000x32xf32> -> vector<10000x32xf32>
    %get3A_48 = arith.constant 0 : index
    %get3A_49 = arith.constant 0 : index
    %get3A_50 = vector.load %arg5[%get3A_48, %get3A_49] : memref<1x32xf32, #tpu.memory_space<vmem>>, vector<1x32xf32>
    %add3A_51 = vector.broadcast %get3A_50 : vector<1x32xf32> to vector<10000x32xf32>
    %add3A_52 = arith.addf %dot_general3A_47, %add3A_51 : vector<10000x32xf32>
    %swap3A = arith.constant 0 : index
    %swap3A_53 = arith.constant 0 : index
    %swap3A_54 = vector.load %arg6[%swap3A, %swap3A_53] : memref<10000x32xf32, #tpu.memory_space<vmem>>, vector<10000x32xf32>
    tpu.vector_store %arg6[%swap3A, %swap3A_53], %add3A_52 {strides = array<i32>} : memref<10000x32xf32, #tpu.memory_space<vmem>>, vector<10000x32xf32>,
    %mul3A_55 = arith.constant 6.400000e+01 : f32
    %mul3A_56 = vector.broadcast %mul3A_55 : f32 to vector<10000x32xf32>
    %mul3A_57 = arith.mulf %add3A_52, %mul3A_56 : vector<10000x32xf32>
    %round3A = math.roundeven %mul3A_57 : vector<10000x32xf32>
    %convert_element_type3A_58 = arith.fptosi %round3A : vector<10000x32xf32> to vector<10000x32xi16>
    %broadcast_in_dim3A = arith.constant 64 : i16
    %broadcast_in_dim3A_59 = vector.broadcast %broadcast_in_dim3A : i16 to vector<10000x16xi16>
    %concatenate3A = tpu.concatenate %convert_element_type3A_58, %broadcast_in_dim3A_59 in 1 : vector<10000x32xi16>, vector<10000x16xi16> -> vector<10000x48xi16>
    %swap3A_60 = arith.constant 0 : index
    %swap3A_61 = arith.constant 0 : index
    %swap3A_62 = vector.load %arg7[%swap3A_60, %swap3A_61] : memref<10000x48xi16, #tpu.memory_space<vmem>>, vector<10000x48xi16>
    tpu.vector_store %arg7[%swap3A_60, %swap3A_61], %concatenate3A {strides = array<i32>} : memref<10000x48xi16, #tpu.memory_space<vmem>>, vector<10000x48xi16>,
    %broadcast_in_dim3A_63 = vector.shape_cast %div3A_19 : vector<10000x1xf32> to vector<10000x1xf32>
    %broadcast_in_dim3A_64 = vector.broadcast %broadcast_in_dim3A_63 : vector<10000x1xf32> to vector<10000x8xf32>
    %swap3A_65 = arith.constant 0 : index
    %swap3A_66 = arith.constant 0 : index
    %swap3A_67 = vector.load %arg8[%swap3A_65, %swap3A_66] : memref<10000x8xf32, #tpu.memory_space<vmem>>, vector<10000x8xf32>
    tpu.vector_store %arg8[%swap3A_65, %swap3A_66], %broadcast_in_dim3A_64 {strides = array<i32>} : memref<10000x8xf32, #tpu.memory_space<vmem>>, vector<10000x8xf32>,
    return
  }
}

module attributes {stable_mosaic.version = 14 : i64} {
  func.func @_combine2_body(%arg0: memref<10000x32xf32, #tpu.memory_space<vmem>>, %arg1: memref<2x10112x48xi16, #tpu.memory_space<vmem>>, %arg2: memref<10000x8xf32, #tpu.memory_space<vmem>>, %arg3: memref<64x32xf32, #tpu.memory_space<vmem>>, %arg4: memref<1x32xf32, #tpu.memory_space<vmem>>, %arg5: memref<32x1xf32, #tpu.memory_space<vmem>>, %arg6: memref<1x1xf32, #tpu.memory_space<vmem>>, %arg7: memref<10000x1xf32, #tpu.memory_space<vmem>>) attributes {dimension_semantics = [], scalar_prefetch = 0 : i64, scratch_operands = 0 : i64, tpu.core_type = #tpu.core_type<tc>} {
    %get3A = arith.constant 0 : index
    %get3A_0 = arith.constant 0 : index
    %get3A_1 = vector.load %arg0[%get3A, %get3A_0] : memref<10000x32xf32, #tpu.memory_space<vmem>>, vector<10000x32xf32>
    %get3A_2 = arith.constant 0 : index
    %get3A_3 = arith.constant 0 : index
    %get3A_4 = arith.constant 0 : index
    %get3A_5 = vector.load %arg1[%get3A_2, %get3A_3, %get3A_4] : memref<2x10112x48xi16, #tpu.memory_space<vmem>>, vector<1x10000x32xi16>
    %get3A_6 = vector.shape_cast %get3A_5 : vector<1x10000x32xi16> to vector<10000x32xi16>
    %convert_element_type3A = arith.sitofp %get3A_6 : vector<10000x32xi16> to vector<10000x32xf32>
    %get3A_7 = arith.constant 1 : index
    %get3A_8 = arith.constant 0 : index
    %get3A_9 = arith.constant 0 : index
    %get3A_10 = vector.load %arg1[%get3A_7, %get3A_8, %get3A_9] : memref<2x10112x48xi16, #tpu.memory_space<vmem>>, vector<1x10000x32xi16>
    %get3A_11 = vector.shape_cast %get3A_10 : vector<1x10000x32xi16> to vector<10000x32xi16>
    %convert_element_type3A_12 = arith.sitofp %get3A_11 : vector<10000x32xi16> to vector<10000x32xf32>
    %add3A = arith.addf %convert_element_type3A, %convert_element_type3A_12 : vector<10000x32xf32>
    %mul3A = arith.constant 1.562500e-02 : f32
    %mul3A_13 = vector.broadcast %mul3A : f32 to vector<10000x32xf32>
    %mul3A_14 = arith.mulf %add3A, %mul3A_13 : vector<10000x32xf32>
    %add3A_15 = arith.addf %mul3A_14, %get3A_1 : vector<10000x32xf32>
    %get3A_16 = arith.constant 0 : index
    %get3A_17 = arith.constant 0 : index
    %get3A_18 = vector.load %arg2[%get3A_16, %get3A_17] : memref<10000x8xf32, #tpu.memory_space<vmem>>, vector<10000x1xf32>
    %mul3A_19 = vector.broadcast %get3A_18 : vector<10000x1xf32> to vector<10000x32xf32>
    %mul3A_20 = arith.mulf %add3A_15, %mul3A_19 : vector<10000x32xf32>
    %get3A_21 = arith.constant 0 : index
    %get3A_22 = arith.constant 0 : index
    %get3A_23 = vector.load %arg3[%get3A_21, %get3A_22] : memref<64x32xf32, #tpu.memory_space<vmem>>, vector<64x32xf32>
    %slice3A = vector.extract_strided_slice %get3A_23 {offsets = [0, 0], sizes = [32, 32], strides = [1, 1]} : vector<64x32xf32> to vector<32x32xf32>
    %dot_general3A = arith.constant dense<0.000000e+00> : vector<10000x32xf32>
    %dot_general3A_24 = tpu.matmul %get3A_1, %slice3A, %dot_general3A {dimension_numbers = #tpu.dot_dimension_numbers<[1], [0], [0], [1], [0, 0, 1, 1], [], []>, transpose_lhs_hint = false} : vector<10000x32xf32>, vector<32x32xf32>, vector<10000x32xf32> -> vector<10000x32xf32>
    %slice3A_25 = vector.extract_strided_slice %get3A_23 {offsets = [32, 0], sizes = [32, 32], strides = [1, 1]} : vector<64x32xf32> to vector<32x32xf32>
    %dot_general3A_26 = arith.constant dense<0.000000e+00> : vector<10000x32xf32>
    %dot_general3A_27 = tpu.matmul %mul3A_20, %slice3A_25, %dot_general3A_26 {dimension_numbers = #tpu.dot_dimension_numbers<[1], [0], [0], [1], [0, 0, 1, 1], [], []>, transpose_lhs_hint = false} : vector<10000x32xf32>, vector<32x32xf32>, vector<10000x32xf32> -> vector<10000x32xf32>
    %add3A_28 = arith.addf %dot_general3A_24, %dot_general3A_27 : vector<10000x32xf32>
    %get3A_29 = arith.constant 0 : index
    %get3A_30 = arith.constant 0 : index
    %get3A_31 = vector.load %arg4[%get3A_29, %get3A_30] : memref<1x32xf32, #tpu.memory_space<vmem>>, vector<1x32xf32>
    %add3A_32 = vector.broadcast %get3A_31 : vector<1x32xf32> to vector<10000x32xf32>
    %add3A_33 = arith.addf %add3A_28, %add3A_32 : vector<10000x32xf32>
    %max3A = arith.constant 0.000000e+00 : f32
    %max3A_34 = vector.broadcast %max3A : f32 to vector<10000x32xf32>
    %max3A_35 = arith.maximumf %add3A_33, %max3A_34 : vector<10000x32xf32>
    %get3A_36 = arith.constant 0 : index
    %get3A_37 = arith.constant 0 : index
    %get3A_38 = vector.load %arg5[%get3A_36, %get3A_37] : memref<32x1xf32, #tpu.memory_space<vmem>>, vector<32x1xf32>
    %dot_general3A_39 = arith.constant dense<0.000000e+00> : vector<10000x1xf32>
    %dot_general3A_40 = tpu.matmul %max3A_35, %get3A_38, %dot_general3A_39 {dimension_numbers = #tpu.dot_dimension_numbers<[1], [0], [0], [1], [0, 0, 1, 1], [], []>, transpose_lhs_hint = false} : vector<10000x32xf32>, vector<32x1xf32>, vector<10000x1xf32> -> vector<10000x1xf32>
    %get3A_41 = arith.constant 0 : index
    %get3A_42 = arith.constant 0 : index
    %get3A_43 = vector.load %arg6[%get3A_41, %get3A_42] : memref<1x1xf32, #tpu.memory_space<vmem>>, vector<1x1xf32>
    %add3A_44 = vector.broadcast %get3A_43 : vector<1x1xf32> to vector<10000x1xf32>
    %add3A_45 = arith.addf %dot_general3A_40, %add3A_44 : vector<10000x1xf32>
    %swap3A = arith.constant 0 : index
    %swap3A_46 = arith.constant 0 : index
    %swap3A_47 = vector.load %arg7[%swap3A, %swap3A_46] : memref<10000x1xf32, #tpu.memory_space<vmem>>, vector<10000x1xf32>
    tpu.vector_store %arg7[%swap3A, %swap3A_46], %add3A_45 {strides = array<i32>} : memref<10000x1xf32, #tpu.memory_space<vmem>>, vector<10000x1xf32>,
    return
  }
}

</mosaic_0001>

<sc_bundles>
// kernel: sc_segsum_48.3.cloned.1.call-start
scs
__scs_entry_jumppad:
0x0: {  	(pc) =	sbr.rel $0x88, $3  }
0x1: {  	(tag) =	ssettag $0x0;
	lr =	simm.s32 $0x1  }
0x2: {  	[smem:$0x3F95] =	sst lr;
	_ =	strace $0xD0000000  }
0x3: {  	_ = 	snop  }
0x4: {  	_ = 	snop  }
0x5: {  	_ = 	snop  }
0x6: {  	_ = 	snop  }
0x7: {  	_ = 	snop  }
__scs_overlays_trampoline_lowered:
0x8: {  	[smem:$0x3FA4] =	sst s0  }
0x9: {  	[smem:$0x3FA5] =	sst s1  }
0xa: {  	[smem:$0x3FA6] =	sst s2  }
0xb: {  	[smem:$0x3FA7] =	sst s3  }
0xc: {  	[smem:$0x3FA8] =	sst s4  }
0xd: {  	[smem:$0x3FA9] =	sst s5  }
0xe: {  	[smem:$0x3FAA] =	sst s6  }
0xf: {  	[smem:$0x3FAB] =	sst s7  }
0x10: {  	[smem:$0x3FAC] =	sst s8  }
0x11: {  	[smem:$0x3FAD] =	sst s9;
	s0 =	simm.s32 @!p0 $0x0  }
0x12: {  	s1 =	sld [smem:$0x3F93];
	s0 =	simm.s32 @p0 $0x1  }
0x13: {  	[smem:$0x3FAE] =	sst s0;
	s0 =	simm.s32 @!p1 $0x0  }
0x14: {  	s2 =	sld [smem:$0x3F92];
	s0 =	simm.s32 @p1 $0x1  }
0x15: {  	[smem:$0x3FAF] =	sst s0;
	s0 =	simm.s32 @!p2 $0x0  }
0x16: {  	s3 =	sld [smem:$0x3FDB];
	s0 =	simm.s32 @p2 $0x1  }
0x17: {  	s4 =	simm.s32 $0x1BF5;
	[smem:$0x3FB1] =	sst s0  }
0x18: {  	s0 =	sld [smem:$0x3F94];
	_ =	swait.ge [sflag:s4], $0x0  }
0x19: {  	s7 =	sld [smem:$0x3F95]  }
0x1a: {  	s8 =	sadd.s32 $0xFFFFE003, lr  }
0x1b: {  	s9 =	sadd.s32 $0xFFFFFEF7, lr;
	s5 =	simm.s32 $0xFFFFFFFF;
	p2 =	slt.u32 s8, $0xFFFFF086  }
0x1c: {  	p1 =	slt.u32 s9, $0xF7A;
	s5 =	simm.s32 @!p2 $0x0  }
0x1d: {  	s5 =	simm.s32 @p1 $0x1;
	p0 =	seq.s32 s7, s2  }
0x1e: {  	s7 =	smul.u32 @!p0 $0xF7A, s2;
	p2 =	seq.s32 @!p0 s5, $0x0  }
0x1f: {  	s9 =	smul.u32 $0xF7A, s1;
	s8 =	simm.s32 @!p0 $0x1BF5;
	p2 =	por !p2, p0  }
0x20: {  	[sflag:s8] =	ssyncset.s32 @!p0 $0xFFFFF086;
	s6 =	sadd.s32 @!p0 s3, s7;
	s7 =	simm.s32 @!p0 $0x108  }
0x21: {  	s3 =	sadd.s32 s3, s9;
	s6 =	sadd.s32 @!p0 $0x88, s6;
	s7 =	simm.s32 @p2 $0x1082  }
0x22: {  	[simem:s7], [sflag:s8] =	dma.local @!p0 [hbm:s6], $0xF7A  }
0x23: {  	s9 =	sor.u32 $0xD0000000, s2;
	s6 =	simm.s32 $0x108;
	_ =	swait.ge @!p0 [sflag:s8], $0x0  }
0x24: {  	s3 =	sadd.s32 $0x88, s3;
	s6 =	simm.s32 @!p1 $0x1082;
	[sflag:s4] =	ssyncset.s32 $0xFFFFF086  }
0x25: {  	[simem:s6], [sflag:s4] =	dma.local [hbm:s3], $0xF7A  }
0x26: {  	[smem:$0x3F95] =	sst s1;
	(tag) =	ssettag s2;
	_ =	strace s9  }
0x27: {  	s1 =	sld [smem:$0x3FA5]  }
0x28: {  	s2 =	sld [smem:$0x3FA6]  }
0x29: {  	s4 =	sld [smem:$0x3FA8]  }
0x2a: {  	p0 =	seq.s32 s5, $0x0;
	s5 =	sld [smem:$0x3FA9]  }
0x2b: {  	s6 =	sld [smem:$0x3FAA]  }
0x2c: {  	s7 =	sld [smem:$0x3FAB]  }
0x2d: {  	s3 =	simm.s32 $0x108;
	s8 =	sld [smem:$0x3FAC]  }
0x2e: {  	s3 =	simm.s32 @!p0 $0x1082;
	s9 =	sld [smem:$0x3FAD]  }
0x2f: {  	lr =	sadd.s32 s0, s3;
	s0 =	sld [smem:$0x3FA4]  }
0x30: {  	s3 =	sld [smem:$0x3FA7]  }
0x31: {  	[smem:$0x3FB0] =	sst s10  }
0x32: {  	s10 =	sld [smem:$0x3FAE];
	_ =	sdelay $0x3  }
0x33: {  	p0 =	seq.s32 s10, $0x1;
	s10 =	sld [smem:$0x3FB0];
	_ =	sdelay $0x3  }
0x34: {  	[smem:$0x3FB0] =	sst s10  }
0x35: {  	s10 =	sld [smem:$0x3FAF];
	_ =	sdelay $0x3  }
0x36: {  	p1 =	seq.s32 s10, $0x1;
	s10 =	sld [smem:$0x3FB0];
	_ =	sdelay $0x3  }
0x37: {  	[smem:$0x3FB0] =	sst s10  }
0x38: {  	s10 =	sld [smem:$0x3FB1]  }
0x39: {  	_ = 	snop;
	(pc) =	sbr.ind lr, $3  }
0x3a: {  	_ = 	snop  }
0x3b: {  	_ = 	snop  }
0x3c: {  	p2 =	seq.s32 s10, $0x1;
	s10 =	sld [smem:$0x3FB0]  }
0x3d: {  	_ =	shalt  }
0x3e: {  	_ =	shalt  }
0x3f: {  	_ =	shalt  }
0x40: {  	_ =	shalt  }
0x41: {  	_ =	shalt  }
0x42: {  	_ =	shalt  }
0x43: {  	_ =	shalt  }
0x44: {  	_ =	shalt  }
0x45: {  	_ =	shalt  }
0x46: {  	_ =	shalt  }
0x47: {  	_ =	shalt  }
0x48: {  	_ =	shalt  }
0x49: {  	_ =	shalt  }
0x4a: {  	_ =	shalt  }
0x4b: {  	_ =	shalt  }
0x4c: {  	_ =	shalt  }
0x4d: {  	_ =	shalt  }
0x4e: {  	_ =	shalt  }
0x4f: {  	_ =	shalt  }
0x50: {  	_ =	shalt  }
0x51: {  	_ =	shalt  }
0x52: {  	_ =	shalt  }
0x53: {  	_ =	shalt  }
0x54: {  	_ =	shalt  }
0x55: {  	_ =	shalt  }
0x56: {  	_ =	shalt  }
0x57: {  	_ =	shalt  }
0x58: {  	_ =	shalt  }
0x59: {  	_ =	shalt  }
0x5a: {  	_ =	shalt  }
0x5b: {  	_ =	shalt  }
0x5c: {  	_ =	shalt  }
0x5d: {  	_ =	shalt  }
0x5e: {  	_ =	shalt  }
0x5f: {  	_ =	shalt  }
0x60: {  	_ =	shalt  }
0x61: {  	_ =	shalt  }
0x62: {  	_ =	shalt  }
0x63: {  	_ =	shalt  }
0x64: {  	_ =	shalt  }
0x65: {  	_ =	shalt  }
0x66: {  	_ =	shalt  }
0x67: {  	_ =	shalt  }
0x68: {  	_ =	shalt  }
0x69: {  	_ =	shalt  }
0x6a: {  	_ =	shalt  }
0x6b: {  	_ =	shalt  }
0x6c: {  	_ =	shalt  }
0x6d: {  	_ =	shalt  }
0x6e: {  	_ =	shalt  }
0x6f: {  	_ =	shalt  }
0x70: {  	_ =	shalt  }
0x71: {  	_ =	shalt  }
0x72: {  	_ =	shalt  }
0x73: {  	_ =	shalt  }
0x74: {  	_ =	shalt  }
0x75: {  	_ =	shalt  }
0x76: {  	_ =	shalt  }
0x77: {  	_ =	shalt  }
0x78: {  	_ =	shalt  }
0x79: {  	_ =	shalt  }
0x7a: {  	_ =	shalt  }
0x7b: {  	_ =	shalt  }
0x7c: {  	_ =	shalt  }
0x7d: {  	_ =	shalt  }
0x7e: {  	_ =	shalt  }
0x7f: {  	_ =	shalt  }
0x80: {  	_ =	shalt  }
0x81: {  	_ =	shalt  }
0x82: {  	_ =	shalt  }
0x83: {  	_ =	shalt  }
0x84: {  	_ =	shalt  }
0x85: {  	_ =	shalt  }
0x86: {  	_ =	shalt  }
0x87: {  	_ =	shalt  }
.Lfunc_end0:
.L_simem_size_0:
called_computation.1_lowered:
.L_overlay_start_0:
0x88: {  	s2 =	sld [smem:$0x3FD9]  }
0x89: {  	s3 =	sld [smem:$0x3FFE];
	_ =	sdelay $0x1  }
0x8a: {  	s1 =	srdreg.scid  }
0x8b: {  	s0 =	sand.u32 $0x1, s1  }
0x8c: {  	s16 =	sshll.u32 s0, $0xA;
	s2 =	sadd.s32 s3, s2  }
0x8d: {  	s2 =	sadd.s32 s2, s16  }
0x8e: {  	[smem:$0x3FBC] =	sst s2  }
0x8f: {  	_ = 	snop  }
0x90: {  	(tm) =	ssettm $0x1  }
0x91: {  	s17 =	sld [smem:$0x3FFB];
	_ =	sdelay $0x3  }
0x92: {  	_ =	strace s17  }
0x93: {  	s2 =	sld [smem:$0x3FFC];
	_ =	sdelay $0x3  }
0x94: {  	_ =	strace s2  }
0x95: {  	s2 =	sld [smem:$0x3FFD];
	_ =	sdelay $0x3  }
0x96: {  	_ =	strace s2  }
0x97: {  	_ =	strace $0x8FFFFFFF  }
0x98: {  	s18 =	sld [smem:$0x3FDB];
	_ =	sdelay $0x1  }
0x99: {  	s19 =	simm.s32 $_scs_section_size  }
0x9a: {  	s4 =	simm.s32 $_size__tile_overlayer_lowered;
	s5 =	simm.s32 $_tile_overlayer_lowered  }
0x9b: {  	s22 =	simm.s32 $0x1BFF;
	s21 =	sshll.u32 s5, $0x1;
	s2 =	sadd.s32 s19, s18  }
0x9c: {  	s6 =	simm.s32 $0x0;
	s20 =	sshll.u32 s4, $0x1;
	s4 =	sadd.s32 s21, s2  }
0x9d: {  	[timem:s6], [sflag:s22] =	dma.local [hbm:s4], s20  }
0x9e: {  	_ =	swait.ge [sflag:s22], s20  }
0x9f: {  	s3 =	ssub.s32 $0x0, s20;
	[sflag:s22] =	ssyncset.done $0x0  }
0xa0: {  	[sflag:s22] =	ssyncadd.s32 s3;
	_ =	sdelay $0x1  }
0xa1: {  	s23 =	simm.s32 $0x1B8B  }
0xa2: {  	_ =	swait.ge [sflag:s23], $0x1  }
0xa3: {  	[sflag:s23] =	ssyncset.done $0x0  }
0xa4: {  	s25 =	simm.s32 $0x1B8E;
	s24 =	sld [smem:$0x3FFE];
	[sflag:s23] =	ssyncadd.s32 $0xFFFFFFFF  }
0xa5: {  	s26 =	simm.s32 $execute0_lowered;
	[smem:$0x3FD2] =	sst s25  }
0xa6: {  	s4 =	sshll.u32 s26, $0x1;
	_ =	strace $0x80000049;
	[dreg:$0x1] =	wrdreg $0xFFFFFFFF  }
0xa7: {  	s28 =	simm.s32 $_size_execute0_lowered;
	s2 =	sadd.s32 s2, s4;
	[dreg:$0x0] =	wrdreg $0x0  }
0xa8: {  	s4 =	sshll.u32 s28, $0x1;
	[dreg:$0x2] =	wrdreg s2  }
0xa9: {  	[dreg:$0x3] =	wrdreg s4  }
0xaa: {  	[dreg:$0x4] =	wrdreg $0xC0  }
0xab: {  	_ =	task [dreg:s6], $0x5FFFF  }
0xac: {  	[dreg:$0x1] =	wrdreg $0xFFFFFFFF  }
0xad: {  	[dreg:$0x0] =	wrdreg $0x60  }
0xae: {  	[dreg:$0x2] =	wrdreg s24  }
0xaf: {  	[dreg:$0x3] =	wrdreg $0x80000  }
0xb0: {  	[dreg:$0x4] =	wrdreg $0x9  }
0xb1: {  	_ =	task.clear_ibuf [dreg:s6], $0x5FFFF;
	_ =	strace $0x90000049  }
0xb2: {  	s29 =	simm.s32 $0x9;
	_ =	strace $0x8000004B  }
0xb3: {  	_ =	swait.ge [sflag:s29], $0x1  }
0xb4: {  	[sflag:s29] =	ssyncadd.s32 $0xFFFFFFFF  }
0xb5: {  	_ =	strace $0x9000004B  }
0xb6: {  	_ =	sfence  }
0xb7: {  	s30 =	sld [smem:$0x0];
	_ =	sdelay $0x2  }
0xb8: {  	s31 =	sshll.u32 s1, $0xD;
	s1 =	sshrl.u32 s1, $0x2  }
0xb9: {  	s3 =	sand.u32 $0x4000, s31;
	s1 =	sadd.s32 s1, s30  }
0xba: {  	s0 =	sor.u32 s3, s0;
	s1 =	sshll.u32 s1, $0x11  }
0xbb: {  	s0 =	sor.u32 s1, s0  }
0xbc: {  	s0 =	sadd.s32 $0x8F2B, s0  }
0xbd: {  	[sflag:s0] =	ssyncadd.remote.s32 $0x1  }
0xbe: {  	_ =	sfence.sel $0xFFFF  }
0xbf: {  	[dreg:$0x0] =	wrdreg $0xFFFFFFFF;
	(pc) =	sbr.abs _section_cstart, $3  }
0xc0: {  	[dreg:$0x1] =	wrdreg $0xFFFFFFFF  }
0xc1: {  	_ =	task.clear_ibuf [dreg:s6], $0x2FFFF;
	_ =	strace $0x9FFFFFFF  }
0xc2: {  	(tm) =	ssettm $0x7FFFFFFF  }
0xc3: {  	_ =	shalt  }
tec
execute0_lowered:
.L_overlay_start_1:
0x0: {  	(tag) =	ssettag $0x1  }
0x1: {  	s0 =	srdreg.scid;
	s3 =	rddreg [dreg:$0x0]  }
0x2: {  	s10 =	stileid.u32;
	s2 =	rddreg [dreg:$0x1]  }
0x3: {  	s4 =	simm.s32 $0x0;
	s16 =	simm.s32 $0x9;
	s17 =	simm.s32 $0x80  }
0x4: {  	s18 =	simm.s32 $0x5000;
	s19 =	simm.s32 $0x5C00;
	s21 =	simm.s32 $0x6800  }
0x5: {  	s23 =	simm.s32 $0x7400;
	s24 =	simm.s32 $0x1;
	s25 =	simm.s32 $0x2  }
0x6: {  	s28 =	simm.s32 $0x4;
	s29 =	simm.s32 $0x5;
	s30 =	simm.s32 $0x6  }
0x7: {  	s31 =	simm.s32 $0x7;
	s0 =	sand.u32 $0x1, s0;
	s7 =	smul.u32 $0x7680, s10  }
0x8: {  	[smem:$0x7FF] =	sst s4;
	s4 =	sadd.s32 $0x2200, s3;
	s11 =	sadd.s32 $0x21D40, s3  }
0x9: {  	s12 =	sadd.s32 $0x223C0, s3;
	s1 =	sshll.u32 s0, $0x4;
	s6 =	smul.u32 $0x76800, s0  }
0xa: {  	_ =	strace $0x8000004A;
	s0 =	ssub.s32 $0x2, s0;
	s1 =	sor.u32 s10, s1  }
0xb: {  	s26 =	sshrl.u32 s0, $0x1;
	s10 =	sshll.u32 s10, $0x6;
	s5 =	smul.u32 $0x2800, s1  }
0xc: {  	s6 =	sadd.s32 s7, s6;
	s7 =	sshrl.u32 s7, $0x1;
	s0 =	ssub.s32 s0, s26  }
0xd: {  	p0 =	seq.s32 s1, $0x1F;
	s26 =	simm.s32 $0x3;
	s1 =	simm.s32 $0x8  }
0xe: {  	s8 =	sshrl.u32 s6, $0x4;
	s6 =	sadd.s32 $0x3C200, s3;
	s15 =	sadd.s32 s7, s2  }
0xf: {  	s7 =	sor.u32 $0x1C09, s10;
	s10 =	sadd.s32 $0x18100, s3;
	s14 =	smax.u32 s0, $0x1  }
0x10: {  	s0 =	simm.s32 $0x0;
	s5 =	sshrl.u32 s5, $0x3;
	s13 =	sadd.s32 s8, s3  }
0x11: {  	s15 =	sshrl.u32 s15, $0x3;
	s9 =	sadd.s32 s5, s3;
	s5 =	sadd.s32 $0x22000, s3  }
0x12: {  	s13 =	sadd.s32 $0x22800, s13;
	s8 =	sadd.s32 $0xE600, s9;
	s9 =	sadd.s32 $0x18240, s9  }
.LBB2_1:
0x13: {  	[spmem:s15], [sflag:s7] =	dma.local [hbm:s6], $0x768  }
0x14: {  	_ =	swait.ge [sflag:s16], $0x768  }
0x15: {  	[sflag:s16] =	ssyncset.done $0x0  }
0x16: {  	s3 =	simm.s32 @p0 $0x0;
	s20 =	simm.s32 @p0 $0x9;
	[sflag:s16] =	ssyncadd.s32 $0xFFFFF898  }
0x17: {  	[tilespmem:s3], [sflag:$0x9] =	stream.linear.gather @p0 [hbm4b:s10+s3], $0xA00, $0x38;
	[tilespmem:$0xBB40] =	vst v63  }
0x18: {  	_ =	swait.ge @p0 [sflag:s20], $0xA00  }
0x19: {  	[sflag:s20] =	ssyncset.done @p0 $0x0  }
0x1a: {  	s22 =	simm.s32 @p0 $0xA00;
	[sflag:s20] =	ssyncadd.s32 @p0 $0xFFFFF600  }
0x1b: {  	[tilespmem:s22], [sflag:$0x9] =	stream.linear.gather @p0 [hbm4b:s5+s3], $0x1E00, $0x38;
	[tilespmem:$0xBB40] =	vst v63  }
0x1c: {  	_ =	swait.ge @p0 [sflag:s20], $0x1E00  }
0x1d: {  	[sflag:s20] =	ssyncset.done @p0 $0x0  }
0x1e: {  	s22 =	simm.s32 @p0 $0x2800;
	[sflag:s20] =	ssyncadd.s32 @p0 $0xFFFFE200  }
0x1f: {  	[tilespmem:s22], [sflag:$0x9] =	stream.linear.gather @p0 [hbm4b:s11+s3], $0xA00, $0x38;
	[tilespmem:$0xBB40] =	vst v63  }
0x20: {  	_ =	swait.ge @p0 [sflag:s20], $0xA00  }
0x21: {  	[sflag:s20] =	ssyncset.done @p0 $0x0  }
0x22: {  	s22 =	simm.s32 @p0 $0x3200;
	[sflag:s20] =	ssyncadd.s32 @p0 $0xFFFFF600  }
0x23: {  	[tilespmem:s22], [sflag:$0x9] =	stream.linear.gather @p0 [hbm4b:s12+s3], $0x1E00, $0x38;
	[tilespmem:$0xBB40] =	vst v63  }
0x24: {  	_ =	swait.ge @p0 [sflag:s20], $0x1E00  }
0x25: {  	[sflag:s20] =	ssyncset.done @p0 $0x0  }
0x26: {  	s3 =	simm.s32 @!p0 $0x0;
	[sflag:s20] =	ssyncadd.s32 @p0 $0xFFFFE200;
	s20 =	simm.s32 @!p0 $0x9  }
0x27: {  	[tilespmem:s3], [sflag:$0x9] =	stream.linear.gather @!p0 [hbm4b:s8+s3], $0x2800, $0x38;
	[tilespmem:$0xBB40] =	vst v63  }
0x28: {  	_ =	swait.ge @!p0 [sflag:s20], $0x2800  }
0x29: {  	[sflag:s20] =	ssyncset.done @!p0 $0x0  }
0x2a: {  	s22 =	simm.s32 @!p0 $0x2800;
	[sflag:s20] =	ssyncadd.s32 @!p0 $0xFFFFD800  }
0x2b: {  	[tilespmem:s22], [sflag:$0x9] =	stream.linear.gather @!p0 [hbm4b:s9+s3], $0x2800, $0x38;
	[tilespmem:$0xBB40] =	vst v63  }
0x2c: {  	_ =	swait.ge @!p0 [sflag:s20], $0x2800  }
0x2d: {  	[sflag:s20] =	ssyncset.done @!p0 $0x0  }
0x2e: {  	[sflag:s20] =	ssyncadd.s32 @!p0 $0xFFFFD800  }
0x2f: {  	s20 =	simm.s32 $0x0;
	[bflag:$0x0] =	sbarrier.arrive $0xFFFF  }
0x30: {  	[tilespmem:s18], [sflag:$0x1] =	stream.indirect.gather [hbm4b:s4+s17], $0x18, s20, s17, $0xb8;
	[tilespmem:$0xBB40] =	vst v63  }
0x31: {  	_ = 	snop  }
0x32: {  	[tilespmem:s19], [sflag:$0x2] =	stream.indirect.gather [hbm4b:s4+s17], $0x18, s17, s17, $0xb8;
	[tilespmem:$0xBB40] =	vst v63  }
0x33: {  	s22 =	simm.s32 $0x100  }
0x34: {  	[tilespmem:s21], [sflag:$0x3] =	stream.indirect.gather [hbm4b:s4+s17], $0x18, s22, s17, $0xb8;
	[tilespmem:$0xBB40] =	vst v63  }
0x35: {  	s20 =	simm.s32 $0x180  }
0x36: {  	[tilespmem:s23], [sflag:$0x4] =	stream.indirect.gather [hbm4b:s4+s17], $0x18, s20, s17, $0xb8;
	[tilespmem:$0xBB40] =	vst v63  }
0x37: {  	_ =	swait.ge [sflag:s24], $0xC00  }
0x38: {  	[sflag:s24] =	ssyncset.done $0x0  }
0x39: {  	s22 =	simm.s32 $0x2800;
	[sflag:s24] =	ssyncadd.s32 $0xFFFFF400  }
0x3a: {  	[spmem:s2] =	stream.indirect.scatter.add.s16 [tilespmem:s18], [sflag:$0x5], $0x18, s22, s17, $0xb8;
	[tilespmem:$0xBB40] =	vst v63  }
0x3b: {  	_ =	swait.ge [sflag:s25], $0xC00  }
0x3c: {  	[sflag:s25] =	ssyncset.done $0x0  }
0x3d: {  	s20 =	simm.s32 $0x2880;
	[sflag:s25] =	ssyncadd.s32 $0xFFFFF400  }
0x3e: {  	[spmem:s2] =	stream.indirect.scatter.add.s16 [tilespmem:s19], [sflag:$0x6], $0x18, s20, s17, $0xb8;
	[tilespmem:$0xBB40] =	vst v63  }
0x3f: {  	_ =	swait.ge [sflag:s26], $0xC00  }
0x40: {  	[sflag:s26] =	ssyncset.done $0x0  }
0x41: {  	s22 =	simm.s32 $0x2900;
	[sflag:s26] =	ssyncadd.s32 $0xFFFFF400  }
0x42: {  	[spmem:s2] =	stream.indirect.scatter.add.s16 [tilespmem:s21], [sflag:$0x7], $0x18, s22, s17, $0xb8;
	[tilespmem:$0xBB40] =	vst v63  }
0x43: {  	_ =	swait.ge [sflag:s28], $0xC00  }
0x44: {  	[sflag:s28] =	ssyncset.done $0x0  }
0x45: {  	s20 =	simm.s32 $0x2980;
	[sflag:s28] =	ssyncadd.s32 $0xFFFFF400  }
0x46: {  	[spmem:s2] =	stream.indirect.scatter.add.s16 [tilespmem:s23], [sflag:$0x8], $0x18, s20, s17, $0xb8;
	[tilespmem:$0xBB40] =	vst v63  }
0x47: {  	_ =	swait.ge [sflag:s29], $0xC00  }
0x48: {  	[sflag:s29] =	ssyncset.done $0x0  }
0x49: {  	s22 =	simm.s32 $0x200;
	[sflag:s29] =	ssyncadd.s32 $0xFFFFF400  }
0x4a: {  	[tilespmem:s18], [sflag:$0x1] =	stream.indirect.gather [hbm4b:s4+s17], $0x18, s22, s17, $0xb8;
	[tilespmem:$0xBB40] =	vst v63  }
0x4b: {  	_ =	swait.ge [sflag:s30], $0xC00  }
0x4c: {  	[sflag:s30] =	ssyncset.done $0x0  }
0x4d: {  	s20 =	simm.s32 $0x280;
	[sflag:s30] =	ssyncadd.s32 $0xFFFFF400  }
0x4e: {  	[tilespmem:s19], [sflag:$0x2] =	stream.indirect.gather [hbm4b:s4+s17], $0x18, s20, s17, $0xb8;
	[tilespmem:$0xBB40] =	vst v63  }
0x4f: {  	_ =	swait.ge [sflag:s31], $0xC00  }
0x50: {  	[sflag:s31] =	ssyncset.done $0x0  }
0x51: {  	s22 =	simm.s32 $0x300;
	[sflag:s31] =	ssyncadd.s32 $0xFFFFF400  }
0x52: {  	[tilespmem:s21], [sflag:$0x3] =	stream.indirect.gather [hbm4b:s4+s17], $0x18, s22, s17, $0xb8;
	[tilespmem:$0xBB40] =	vst v63  }
0x53: {  	_ =	swait.ge [sflag:s1], $0xC00  }
0x54: {  	[sflag:s1] =	ssyncset.done $0x0  }
0x55: {  	s3 =	simm.s32 $0x800;
	s20 =	simm.s32 $0x380;
	[sflag:s1] =	ssyncadd.s32 $0xFFFFF400  }
.LBB2_2:
0x56: {  	[tilespmem:s23], [sflag:$0x4] =	stream.indirect.gather [hbm4b:s4+s17], $0x18, s20, s17, $0xb8;
	[tilespmem:$0xBB40] =	vst v63  }
0x57: {  	s20 =	smov.u32 s3  }
0x58: {  	p1 =	sne.s32 s3, $0x9000;
	s3 =	sadd.s32 $0x800, s3;
	_ =	swait.ge [sflag:s24], $0xC00  }
0x59: {  	s20 =	sshra.s32 s20, $0x2;
	[sflag:s24] =	ssyncset.done $0x0  }
0x5a: {  	s22 =	sadd.s32 $0x2800, s20;
	[sflag:s24] =	ssyncadd.s32 $0xFFFFF400  }
0x5b: {  	[spmem:s2] =	stream.indirect.scatter.add.s16 [tilespmem:s18], [sflag:$0x5], $0x18, s22, s17, $0xb8;
	[tilespmem:$0xBB40] =	vst v63  }
0x5c: {  	_ =	swait.ge [sflag:s25], $0xC00  }
0x5d: {  	[sflag:s25] =	ssyncset.done $0x0  }
0x5e: {  	s22 =	sadd.s32 $0x2880, s20;
	[sflag:s25] =	ssyncadd.s32 $0xFFFFF400  }
0x5f: {  	[spmem:s2] =	stream.indirect.scatter.add.s16 [tilespmem:s19], [sflag:$0x6], $0x18, s22, s17, $0xb8;
	[tilespmem:$0xBB40] =	vst v63  }
0x60: {  	_ =	swait.ge [sflag:s26], $0xC00  }
0x61: {  	[sflag:s26] =	ssyncset.done $0x0  }
0x62: {  	s22 =	sadd.s32 $0x2900, s20;
	[sflag:s26] =	ssyncadd.s32 $0xFFFFF400  }
0x63: {  	[spmem:s2] =	stream.indirect.scatter.add.s16 [tilespmem:s21], [sflag:$0x7], $0x18, s22, s17, $0xb8;
	[tilespmem:$0xBB40] =	vst v63  }
0x64: {  	_ =	swait.ge [sflag:s28], $0xC00  }
0x65: {  	[sflag:s28] =	ssyncset.done $0x0  }
0x66: {  	s22 =	sadd.s32 $0x2980, s20;
	[sflag:s28] =	ssyncadd.s32 $0xFFFFF400  }
0x67: {  	[spmem:s2] =	stream.indirect.scatter.add.s16 [tilespmem:s23], [sflag:$0x8], $0x18, s22, s17, $0xb8;
	[tilespmem:$0xBB40] =	vst v63  }
0x68: {  	_ =	swait.ge [sflag:s29], $0xC00  }
0x69: {  	[sflag:s29] =	ssyncset.done $0x0  }
0x6a: {  	s22 =	sadd.s32 $0x200, s20;
	[sflag:s29] =	ssyncadd.s32 $0xFFFFF400  }
0x6b: {  	[tilespmem:s18], [sflag:$0x1] =	stream.indirect.gather [hbm4b:s4+s17], $0x18, s22, s17, $0xb8;
	[tilespmem:$0xBB40] =	vst v63  }
0x6c: {  	_ =	swait.ge [sflag:s30], $0xC00  }
0x6d: {  	[sflag:s30] =	ssyncset.done $0x0  }
0x6e: {  	s22 =	sadd.s32 $0x280, s20;
	[sflag:s30] =	ssyncadd.s32 $0xFFFFF400  }
0x6f: {  	[tilespmem:s19], [sflag:$0x2] =	stream.indirect.gather [hbm4b:s4+s17], $0x18, s22, s17, $0xb8;
	[tilespmem:$0xBB40] =	vst v63  }
0x70: {  	_ =	swait.ge [sflag:s31], $0xC00  }
0x71: {  	[sflag:s31] =	ssyncset.done $0x0  }
.Ltmp0:
0x72: {  	s22 =	sadd.s32 $0x300, s20;
	[sflag:s31] =	ssyncadd.s32 $0xFFFFF400;
	(pc) =	sbr.rel @p1 .LBB2_2-.Ltmp0, $4  }
0x73: {  	[tilespmem:s21], [sflag:$0x3] =	stream.indirect.gather [hbm4b:s4+s17], $0x18, s22, s17, $0xb8;
	[tilespmem:$0xBB40] =	vst v63  }
0x74: {  	_ =	swait.ge [sflag:s1], $0xC00  }
0x75: {  	[sflag:s1] =	ssyncset.done $0x0  }
0x76: {  	s20 =	sadd.s32 $0x380, s20;
	[sflag:s1] =	ssyncadd.s32 $0xFFFFF400  }
0x77: {  	[tilespmem:s23], [sflag:$0x4] =	stream.indirect.gather [hbm4b:s4+s17], $0x18, s20, s17, $0xb8;
	[tilespmem:$0xBB40] =	vst v63  }
0x78: {  	_ =	swait.ge [sflag:s24], $0xC00  }
0x79: {  	[sflag:s24] =	ssyncset.done $0x0  }
0x7a: {  	s3 =	simm.s32 $0x4E00;
	[sflag:s24] =	ssyncadd.s32 $0xFFFFF400  }
0x7b: {  	[spmem:s2] =	stream.indirect.scatter.add.s16 [tilespmem:s18], [sflag:$0x5], $0x18, s3, s17, $0xb8;
	[tilespmem:$0xBB40] =	vst v63  }
0x7c: {  	_ =	swait.ge [sflag:s25], $0xC00  }
0x7d: {  	[sflag:s25] =	ssyncset.done $0x0  }
0x7e: {  	s22 =	simm.s32 $0x4E80;
	[sflag:s25] =	ssyncadd.s32 $0xFFFFF400  }
0x7f: {  	[spmem:s2] =	stream.indirect.scatter.add.s16 [tilespmem:s19], [sflag:$0x6], $0x18, s22, s17, $0xb8;
	[tilespmem:$0xBB40] =	vst v63  }
0x80: {  	_ =	swait.ge [sflag:s26], $0xC00  }
0x81: {  	[sflag:s26] =	ssyncset.done $0x0  }
0x82: {  	s20 =	simm.s32 $0x4F00;
	[sflag:s26] =	ssyncadd.s32 $0xFFFFF400  }
0x83: {  	[spmem:s2] =	stream.indirect.scatter.add.s16 [tilespmem:s21], [sflag:$0x7], $0x18, s20, s17, $0xb8;
	[tilespmem:$0xBB40] =	vst v63  }
0x84: {  	_ =	swait.ge [sflag:s28], $0xC00  }
0x85: {  	[sflag:s28] =	ssyncset.done $0x0  }
0x86: {  	s22 =	simm.s32 $0x4F80;
	[sflag:s28] =	ssyncadd.s32 $0xFFFFF400  }
0x87: {  	[spmem:s2] =	stream.indirect.scatter.add.s16 [tilespmem:s23], [sflag:$0x8], $0x18, s22, s17, $0xb8;
	[tilespmem:$0xBB40] =	vst v63  }
0x88: {  	_ =	swait.ge [sflag:s29], $0xC00  }
0x89: {  	[sflag:s29] =	ssyncset.done $0x0  }
0x8a: {  	[sflag:s29] =	ssyncadd.s32 $0xFFFFF400  }
0x8b: {  	_ =	swait.ge [sflag:s30], $0xC00  }
0x8c: {  	[sflag:s30] =	ssyncset.done $0x0  }
0x8d: {  	[sflag:s30] =	ssyncadd.s32 $0xFFFFF400  }
0x8e: {  	_ =	swait.ge [sflag:s31], $0xC00  }
0x8f: {  	[sflag:s31] =	ssyncset.done $0x0  }
0x90: {  	[sflag:s31] =	ssyncadd.s32 $0xFFFFF400  }
0x91: {  	_ =	swait.ge [sflag:s1], $0xC00  }
0x92: {  	s0 =	sadd.s32 $0x1, s0;
	[sflag:s1] =	ssyncset.done $0x0  }
0x93: {  	p1 =	sne.s32 s0, s14;
	[sflag:s1] =	ssyncadd.s32 $0xFFFFF400  }
.Ltmp1:
0x94: {  	[bflag:$0x0] =	sbarrier.arrive $0xFFFF;
	(pc) =	sbr.rel @p1 .LBB2_1-.Ltmp1, $4  }
0x95: {  	[hbm:s13], [sflag:s7] =	dma.local [spmem:s15], $0x768  }
0x96: {  	_ =	swait.ge [sflag:s16], $0x768  }
0x97: {  	[sflag:s16] =	ssyncset.done $0x0  }
0x98: {  	[sflag:s16] =	ssyncadd.s32 $0xFFFFF898  }
0x99: {  	_ =	sfence.sel $0x180000  }
0x9a: {  	[bflag:$0x0] =	sbarrier.arrive $0xFFFF  }
0x9b: {  	_ =	strace $0x9000004A  }
0x9c: {  	s0 =	stileid.u32;
	[bflag:$0x2] =	sbarrier.arrive $0xFFFF  }
0x9d: {  	p0 =	sne.s32 s0, $0x0;
	s0 =	rddreg [dreg:$0x2]  }
0x9e: {  	s0 =	sadd.s32 @!p0 $0x100000, s0  }
0x9f: {  	[sflag:s0] =	ssyncadd.tile.s32 @!p0 $0x1;
	_ =	shalt  }
.Lfunc_end2:
_tile_overlayer_lowered:
.L_overlay_start_2:
0xa0: {  	(tag) =	ssettag $0x2  }
0xa1: {  	s0 =	rddreg [dreg:$0x0];
	s2 =	stileid.u32  }
0xa2: {  	s1 =	rddreg [dreg:$0x1];
	p0 =	sne.s32 s2, $0x0  }
0xa3: {  	s3 =	rddreg [dreg:$0x2];
	[bflag:$0x3] =	sbarrier.arrive $0xFFFF;
	s2 =	simm.s32 @!p0 $0x1C09  }
0xa4: {  	[timem:s3], [sflag:s2] =	dma.local @!p0 [hbm:s0], s1  }
0xa5: {  	s0 =	simm.s32 @!p0 $0x9  }
0xa6: {  	_ =	swait.ge @!p0 [sflag:s0], s1  }
0xa7: {  	s1 =	ssub.s32 @!p0 $0x0, s1;
	[sflag:s0] =	ssyncset.done @!p0 $0x0  }
0xa8: {  	[sflag:s0] =	ssyncadd.s32 @!p0 s1  }
0xa9: {  	[bflag:$0x3] =	sbarrier.arrive $0xFFFF  }
0xaa: {  	_ =	shalt  }

// kernel: sc_segsum_80.3.cloned.1.call-start
scs
__scs_entry_jumppad:
0x0: {  	(pc) =	sbr.rel $0x88, $3  }
0x1: {  	(tag) =	ssettag $0x0;
	lr =	simm.s32 $0x1  }
0x2: {  	[smem:$0x3F95] =	sst lr;
	_ =	strace $0xD0000000  }
0x3: {  	_ = 	snop  }
0x4: {  	_ = 	snop  }
0x5: {  	_ = 	snop  }
0x6: {  	_ = 	snop  }
0x7: {  	_ = 	snop  }
__scs_overlays_trampoline_lowered:
0x8: {  	[smem:$0x3FA4] =	sst s0  }
0x9: {  	[smem:$0x3FA5] =	sst s1  }
0xa: {  	[smem:$0x3FA6] =	sst s2  }
0xb: {  	[smem:$0x3FA7] =	sst s3  }
0xc: {  	[smem:$0x3FA8] =	sst s4  }
0xd: {  	[smem:$0x3FA9] =	sst s5  }
0xe: {  	[smem:$0x3FAA] =	sst s6  }
0xf: {  	[smem:$0x3FAB] =	sst s7  }
0x10: {  	[smem:$0x3FAC] =	sst s8  }
0x11: {  	[smem:$0x3FAD] =	sst s9;
	s0 =	simm.s32 @!p0 $0x0  }
0x12: {  	s1 =	sld [smem:$0x3F93];
	s0 =	simm.s32 @p0 $0x1  }
0x13: {  	[smem:$0x3FAE] =	sst s0;
	s0 =	simm.s32 @!p1 $0x0  }
0x14: {  	s2 =	sld [smem:$0x3F92];
	s0 =	simm.s32 @p1 $0x1  }
0x15: {  	[smem:$0x3FAF] =	sst s0;
	s0 =	simm.s32 @!p2 $0x0  }
0x16: {  	s3 =	sld [smem:$0x3FDB];
	s0 =	simm.s32 @p2 $0x1  }
0x17: {  	s4 =	simm.s32 $0x1BF5;
	[smem:$0x3FB1] =	sst s0  }
0x18: {  	s0 =	sld [smem:$0x3F94];
	_ =	swait.ge [sflag:s4], $0x0  }
0x19: {  	s7 =	sld [smem:$0x3F95]  }
0x1a: {  	s8 =	sadd.s32 $0xFFFFE003, lr  }
0x1b: {  	s9 =	sadd.s32 $0xFFFFFEF7, lr;
	s5 =	simm.s32 $0xFFFFFFFF;
	p2 =	slt.u32 s8, $0xFFFFF086  }
0x1c: {  	p1 =	slt.u32 s9, $0xF7A;
	s5 =	simm.s32 @!p2 $0x0  }
0x1d: {  	s5 =	simm.s32 @p1 $0x1;
	p0 =	seq.s32 s7, s2  }
0x1e: {  	s7 =	smul.u32 @!p0 $0xF7A, s2;
	p2 =	seq.s32 @!p0 s5, $0x0  }
0x1f: {  	s9 =	smul.u32 $0xF7A, s1;
	s8 =	simm.s32 @!p0 $0x1BF5;
	p2 =	por !p2, p0  }
0x20: {  	[sflag:s8] =	ssyncset.s32 @!p0 $0xFFFFF086;
	s6 =	sadd.s32 @!p0 s3, s7;
	s7 =	simm.s32 @!p0 $0x108  }
0x21: {  	s3 =	sadd.s32 s3, s9;
	s6 =	sadd.s32 @!p0 $0x88, s6;
	s7 =	simm.s32 @p2 $0x1082  }
0x22: {  	[simem:s7], [sflag:s8] =	dma.local @!p0 [hbm:s6], $0xF7A  }
0x23: {  	s9 =	sor.u32 $0xD0000000, s2;
	s6 =	simm.s32 $0x108;
	_ =	swait.ge @!p0 [sflag:s8], $0x0  }
0x24: {  	s3 =	sadd.s32 $0x88, s3;
	s6 =	simm.s32 @!p1 $0x1082;
	[sflag:s4] =	ssyncset.s32 $0xFFFFF086  }
0x25: {  	[simem:s6], [sflag:s4] =	dma.local [hbm:s3], $0xF7A  }
0x26: {  	[smem:$0x3F95] =	sst s1;
	(tag) =	ssettag s2;
	_ =	strace s9  }
0x27: {  	s1 =	sld [smem:$0x3FA5]  }
0x28: {  	s2 =	sld [smem:$0x3FA6]  }
0x29: {  	s4 =	sld [smem:$0x3FA8]  }
0x2a: {  	p0 =	seq.s32 s5, $0x0;
	s5 =	sld [smem:$0x3FA9]  }
0x2b: {  	s6 =	sld [smem:$0x3FAA]  }
0x2c: {  	s7 =	sld [smem:$0x3FAB]  }
0x2d: {  	s3 =	simm.s32 $0x108;
	s8 =	sld [smem:$0x3FAC]  }
0x2e: {  	s3 =	simm.s32 @!p0 $0x1082;
	s9 =	sld [smem:$0x3FAD]  }
0x2f: {  	lr =	sadd.s32 s0, s3;
	s0 =	sld [smem:$0x3FA4]  }
0x30: {  	s3 =	sld [smem:$0x3FA7]  }
0x31: {  	[smem:$0x3FB0] =	sst s10  }
0x32: {  	s10 =	sld [smem:$0x3FAE];
	_ =	sdelay $0x3  }
0x33: {  	p0 =	seq.s32 s10, $0x1;
	s10 =	sld [smem:$0x3FB0];
	_ =	sdelay $0x3  }
0x34: {  	[smem:$0x3FB0] =	sst s10  }
0x35: {  	s10 =	sld [smem:$0x3FAF];
	_ =	sdelay $0x3  }
0x36: {  	p1 =	seq.s32 s10, $0x1;
	s10 =	sld [smem:$0x3FB0];
	_ =	sdelay $0x3  }
0x37: {  	[smem:$0x3FB0] =	sst s10  }
0x38: {  	s10 =	sld [smem:$0x3FB1]  }
0x39: {  	_ = 	snop;
	(pc) =	sbr.ind lr, $3  }
0x3a: {  	_ = 	snop  }
0x3b: {  	_ = 	snop  }
0x3c: {  	p2 =	seq.s32 s10, $0x1;
	s10 =	sld [smem:$0x3FB0]  }
0x3d: {  	_ =	shalt  }
0x3e: {  	_ =	shalt  }
0x3f: {  	_ =	shalt  }
0x40: {  	_ =	shalt  }
0x41: {  	_ =	shalt  }
0x42: {  	_ =	shalt  }
0x43: {  	_ =	shalt  }
0x44: {  	_ =	shalt  }
0x45: {  	_ =	shalt  }
0x46: {  	_ =	shalt  }
0x47: {  	_ =	shalt  }
0x48: {  	_ =	shalt  }
0x49: {  	_ =	shalt  }
0x4a: {  	_ =	shalt  }
0x4b: {  	_ =	shalt  }
0x4c: {  	_ =	shalt  }
0x4d: {  	_ =	shalt  }
0x4e: {  	_ =	shalt  }
0x4f: {  	_ =	shalt  }
0x50: {  	_ =	shalt  }
0x51: {  	_ =	shalt  }
0x52: {  	_ =	shalt  }
0x53: {  	_ =	shalt  }
0x54: {  	_ =	shalt  }
0x55: {  	_ =	shalt  }
0x56: {  	_ =	shalt  }
0x57: {  	_ =	shalt  }
0x58: {  	_ =	shalt  }
0x59: {  	_ =	shalt  }
0x5a: {  	_ =	shalt  }
0x5b: {  	_ =	shalt  }
0x5c: {  	_ =	shalt  }
0x5d: {  	_ =	shalt  }
0x5e: {  	_ =	shalt  }
0x5f: {  	_ =	shalt  }
0x60: {  	_ =	shalt  }
0x61: {  	_ =	shalt  }
0x62: {  	_ =	shalt  }
0x63: {  	_ =	shalt  }
0x64: {  	_ =	shalt  }
0x65: {  	_ =	shalt  }
0x66: {  	_ =	shalt  }
0x67: {  	_ =	shalt  }
0x68: {  	_ =	shalt  }
0x69: {  	_ =	shalt  }
0x6a: {  	_ =	shalt  }
0x6b: {  	_ =	shalt  }
0x6c: {  	_ =	shalt  }
0x6d: {  	_ =	shalt  }
0x6e: {  	_ =	shalt  }
0x6f: {  	_ =	shalt  }
0x70: {  	_ =	shalt  }
0x71: {  	_ =	shalt  }
0x72: {  	_ =	shalt  }
0x73: {  	_ =	shalt  }
0x74: {  	_ =	shalt  }
0x75: {  	_ =	shalt  }
0x76: {  	_ =	shalt  }
0x77: {  	_ =	shalt  }
0x78: {  	_ =	shalt  }
0x79: {  	_ =	shalt  }
0x7a: {  	_ =	shalt  }
0x7b: {  	_ =	shalt  }
0x7c: {  	_ =	shalt  }
0x7d: {  	_ =	shalt  }
0x7e: {  	_ =	shalt  }
0x7f: {  	_ =	shalt  }
0x80: {  	_ =	shalt  }
0x81: {  	_ =	shalt  }
0x82: {  	_ =	shalt  }
0x83: {  	_ =	shalt  }
0x84: {  	_ =	shalt  }
0x85: {  	_ =	shalt  }
0x86: {  	_ =	shalt  }
0x87: {  	_ =	shalt  }
.Lfunc_end0:
.L_simem_size_0:
called_computation_lowered:
.L_overlay_start_0:
0x88: {  	s2 =	sld [smem:$0x3FD9]  }
0x89: {  	s3 =	sld [smem:$0x3FFE];
	_ =	sdelay $0x1  }
0x8a: {  	s1 =	srdreg.scid  }
0x8b: {  	s0 =	sand.u32 $0x1, s1  }
0x8c: {  	s16 =	sshll.u32 s0, $0xA;
	s2 =	sadd.s32 s3, s2  }
0x8d: {  	s2 =	sadd.s32 s2, s16  }
0x8e: {  	[smem:$0x3FBC] =	sst s2  }
0x8f: {  	_ = 	snop  }
0x90: {  	(tm) =	ssettm $0x1  }
0x91: {  	s17 =	sld [smem:$0x3FFB];
	_ =	sdelay $0x3  }
0x92: {  	_ =	strace s17  }
0x93: {  	s2 =	sld [smem:$0x3FFC];
	_ =	sdelay $0x3  }
0x94: {  	_ =	strace s2  }
0x95: {  	s2 =	sld [smem:$0x3FFD];
	_ =	sdelay $0x3  }
0x96: {  	_ =	strace s2  }
0x97: {  	_ =	strace $0x8FFFFFFF  }
0x98: {  	s18 =	sld [smem:$0x3FDB];
	_ =	sdelay $0x1  }
0x99: {  	s19 =	simm.s32 $_scs_section_size  }
0x9a: {  	s4 =	simm.s32 $_size__tile_overlayer_lowered;
	s5 =	simm.s32 $_tile_overlayer_lowered  }
0x9b: {  	s22 =	simm.s32 $0x1BFF;
	s21 =	sshll.u32 s5, $0x1;
	s2 =	sadd.s32 s19, s18  }
0x9c: {  	s6 =	simm.s32 $0x0;
	s20 =	sshll.u32 s4, $0x1;
	s4 =	sadd.s32 s21, s2  }
0x9d: {  	[timem:s6], [sflag:s22] =	dma.local [hbm:s4], s20  }
0x9e: {  	_ =	swait.ge [sflag:s22], s20  }
0x9f: {  	s3 =	ssub.s32 $0x0, s20;
	[sflag:s22] =	ssyncset.done $0x0  }
0xa0: {  	[sflag:s22] =	ssyncadd.s32 s3;
	_ =	sdelay $0x1  }
0xa1: {  	s23 =	simm.s32 $0x1B8B  }
0xa2: {  	_ =	swait.ge [sflag:s23], $0x1  }
0xa3: {  	[sflag:s23] =	ssyncset.done $0x0  }
0xa4: {  	s25 =	simm.s32 $0x1B8E;
	s24 =	sld [smem:$0x3FFE];
	[sflag:s23] =	ssyncadd.s32 $0xFFFFFFFF  }
0xa5: {  	s26 =	simm.s32 $execute0_lowered;
	[smem:$0x3FD2] =	sst s25  }
0xa6: {  	s4 =	sshll.u32 s26, $0x1;
	_ =	strace $0x80000046;
	[dreg:$0x1] =	wrdreg $0xFFFFFFFF  }
0xa7: {  	s28 =	simm.s32 $_size_execute0_lowered;
	s2 =	sadd.s32 s2, s4;
	[dreg:$0x0] =	wrdreg $0x0  }
0xa8: {  	s4 =	sshll.u32 s28, $0x1;
	[dreg:$0x2] =	wrdreg s2  }
0xa9: {  	[dreg:$0x3] =	wrdreg s4  }
0xaa: {  	[dreg:$0x4] =	wrdreg $0xC0  }
0xab: {  	_ =	task [dreg:s6], $0x5FFFF  }
0xac: {  	[dreg:$0x1] =	wrdreg $0xFFFFFFFF  }
0xad: {  	[dreg:$0x0] =	wrdreg $0x60  }
0xae: {  	[dreg:$0x2] =	wrdreg s24  }
0xaf: {  	[dreg:$0x3] =	wrdreg $0xA0000  }
0xb0: {  	[dreg:$0x4] =	wrdreg $0x9  }
0xb1: {  	_ =	task.clear_ibuf [dreg:s6], $0x5FFFF;
	_ =	strace $0x90000046  }
0xb2: {  	s29 =	simm.s32 $0x9;
	_ =	strace $0x80000048  }
0xb3: {  	_ =	swait.ge [sflag:s29], $0x1  }
0xb4: {  	[sflag:s29] =	ssyncadd.s32 $0xFFFFFFFF  }
0xb5: {  	_ =	strace $0x90000048  }
0xb6: {  	_ =	sfence  }
0xb7: {  	s30 =	sld [smem:$0x0];
	_ =	sdelay $0x2  }
0xb8: {  	s31 =	sshll.u32 s1, $0xD;
	s1 =	sshrl.u32 s1, $0x2  }
0xb9: {  	s3 =	sand.u32 $0x4000, s31;
	s1 =	sadd.s32 s1, s30  }
0xba: {  	s0 =	sor.u32 s3, s0;
	s1 =	sshll.u32 s1, $0x11  }
0xbb: {  	s0 =	sor.u32 s1, s0  }
0xbc: {  	s0 =	sadd.s32 $0x8F2B, s0  }
0xbd: {  	[sflag:s0] =	ssyncadd.remote.s32 $0x1  }
0xbe: {  	_ =	sfence.sel $0xFFFF  }
0xbf: {  	[dreg:$0x0] =	wrdreg $0xFFFFFFFF;
	(pc) =	sbr.abs _section_cstart, $3  }
0xc0: {  	[dreg:$0x1] =	wrdreg $0xFFFFFFFF  }
0xc1: {  	_ =	task.clear_ibuf [dreg:s6], $0x2FFFF;
	_ =	strace $0x9FFFFFFF  }
0xc2: {  	(tm) =	ssettm $0x7FFFFFFF  }
0xc3: {  	_ =	shalt  }
tec
execute0_lowered:
.L_overlay_start_1:
0x0: {  	(tag) =	ssettag $0x1  }
0x1: {  	s0 =	srdreg.scid;
	s3 =	rddreg [dreg:$0x0]  }
0x2: {  	s10 =	stileid.u32;
	s2 =	rddreg [dreg:$0x1]  }
0x3: {  	s4 =	simm.s32 $0x0;
	s16 =	simm.s32 $0x9;
	s17 =	simm.s32 $0x80  }
0x4: {  	s18 =	simm.s32 $0x5000;
	s19 =	simm.s32 $0x6400;
	s21 =	simm.s32 $0x7800  }
0x5: {  	s23 =	simm.s32 $0x8C00;
	s24 =	simm.s32 $0x1;
	s25 =	simm.s32 $0x2  }
0x6: {  	s28 =	simm.s32 $0x4;
	s29 =	simm.s32 $0x5;
	s30 =	simm.s32 $0x6  }
0x7: {  	s31 =	simm.s32 $0x7;
	s0 =	sand.u32 $0x1, s0;
	s7 =	smul.u32 $0xC580, s10  }
0x8: {  	[smem:$0x7FF] =	sst s4;
	s4 =	sadd.s32 $0x2200, s3;
	s11 =	sadd.s32 $0x21D40, s3  }
0x9: {  	s12 =	sadd.s32 $0x223C0, s3;
	s1 =	sshll.u32 s0, $0x4;
	s6 =	smul.u32 $0xC5800, s0  }
0xa: {  	_ =	strace $0x80000047;
	s0 =	ssub.s32 $0x2, s0;
	s1 =	sor.u32 s10, s1  }
0xb: {  	s26 =	sshrl.u32 s0, $0x1;
	s10 =	sshll.u32 s10, $0x6;
	s5 =	smul.u32 $0x2800, s1  }
0xc: {  	s6 =	sadd.s32 s7, s6;
	s7 =	sshrl.u32 s7, $0x1;
	s0 =	ssub.s32 s0, s26  }
0xd: {  	p0 =	seq.s32 s1, $0x1F;
	s26 =	simm.s32 $0x3;
	s1 =	simm.s32 $0x8  }
0xe: {  	s8 =	sshrl.u32 s6, $0x4;
	s6 =	sadd.s32 $0x22800, s3;
	s15 =	sadd.s32 s7, s2  }
0xf: {  	s7 =	sor.u32 $0x1C09, s10;
	s10 =	sadd.s32 $0x18100, s3;
	s14 =	smax.u32 s0, $0x1  }
0x10: {  	s0 =	simm.s32 $0x0;
	s5 =	sshrl.u32 s5, $0x3;
	s13 =	sadd.s32 s8, s3  }
0x11: {  	s15 =	sshrl.u32 s15, $0x3;
	s9 =	sadd.s32 s5, s3;
	s5 =	sadd.s32 $0x22000, s3  }
0x12: {  	s13 =	sadd.s32 $0x23600, s13;
	s8 =	sadd.s32 $0xE600, s9;
	s9 =	sadd.s32 $0x18240, s9  }
.LBB2_1:
0x13: {  	[spmem:s15], [sflag:s7] =	dma.local [hbm:s6], $0xC58  }
0x14: {  	_ =	swait.ge [sflag:s16], $0xC58  }
0x15: {  	[sflag:s16] =	ssyncset.done $0x0  }
0x16: {  	s3 =	simm.s32 @p0 $0x0;
	s20 =	simm.s32 @p0 $0x9;
	[sflag:s16] =	ssyncadd.s32 $0xFFFFF3A8  }
0x17: {  	[tilespmem:s3], [sflag:$0x9] =	stream.linear.gather @p0 [hbm4b:s10+s3], $0xA00, $0x38;
	[tilespmem:$0x102C0] =	vst v63  }
0x18: {  	_ =	swait.ge @p0 [sflag:s20], $0xA00  }
0x19: {  	[sflag:s20] =	ssyncset.done @p0 $0x0  }
0x1a: {  	s22 =	simm.s32 @p0 $0xA00;
	[sflag:s20] =	ssyncadd.s32 @p0 $0xFFFFF600  }
0x1b: {  	[tilespmem:s22], [sflag:$0x9] =	stream.linear.gather @p0 [hbm4b:s5+s3], $0x1E00, $0x38;
	[tilespmem:$0x102C0] =	vst v63  }
0x1c: {  	_ =	swait.ge @p0 [sflag:s20], $0x1E00  }
0x1d: {  	[sflag:s20] =	ssyncset.done @p0 $0x0  }
0x1e: {  	s22 =	simm.s32 @p0 $0x2800;
	[sflag:s20] =	ssyncadd.s32 @p0 $0xFFFFE200  }
0x1f: {  	[tilespmem:s22], [sflag:$0x9] =	stream.linear.gather @p0 [hbm4b:s11+s3], $0xA00, $0x38;
	[tilespmem:$0x102C0] =	vst v63  }
0x20: {  	_ =	swait.ge @p0 [sflag:s20], $0xA00  }
0x21: {  	[sflag:s20] =	ssyncset.done @p0 $0x0  }
0x22: {  	s22 =	simm.s32 @p0 $0x3200;
	[sflag:s20] =	ssyncadd.s32 @p0 $0xFFFFF600  }
0x23: {  	[tilespmem:s22], [sflag:$0x9] =	stream.linear.gather @p0 [hbm4b:s12+s3], $0x1E00, $0x38;
	[tilespmem:$0x102C0] =	vst v63  }
0x24: {  	_ =	swait.ge @p0 [sflag:s20], $0x1E00  }
0x25: {  	[sflag:s20] =	ssyncset.done @p0 $0x0  }
0x26: {  	s3 =	simm.s32 @!p0 $0x0;
	[sflag:s20] =	ssyncadd.s32 @p0 $0xFFFFE200;
	s20 =	simm.s32 @!p0 $0x9  }
0x27: {  	[tilespmem:s3], [sflag:$0x9] =	stream.linear.gather @!p0 [hbm4b:s8+s3], $0x2800, $0x38;
	[tilespmem:$0x102C0] =	vst v63  }
0x28: {  	_ =	swait.ge @!p0 [sflag:s20], $0x2800  }
0x29: {  	[sflag:s20] =	ssyncset.done @!p0 $0x0  }
0x2a: {  	s22 =	simm.s32 @!p0 $0x2800;
	[sflag:s20] =	ssyncadd.s32 @!p0 $0xFFFFD800  }
0x2b: {  	[tilespmem:s22], [sflag:$0x9] =	stream.linear.gather @!p0 [hbm4b:s9+s3], $0x2800, $0x38;
	[tilespmem:$0x102C0] =	vst v63  }
0x2c: {  	_ =	swait.ge @!p0 [sflag:s20], $0x2800  }
0x2d: {  	[sflag:s20] =	ssyncset.done @!p0 $0x0  }
0x2e: {  	[sflag:s20] =	ssyncadd.s32 @!p0 $0xFFFFD800  }
0x2f: {  	s20 =	simm.s32 $0x0;
	[bflag:$0x0] =	sbarrier.arrive $0xFFFF  }
0x30: {  	[tilespmem:s18], [sflag:$0x1] =	stream.indirect.gather [hbm4b:s4+s17], $0x28, s20, s17, $0xb8;
	[tilespmem:$0x102C0] =	vst v63  }
0x31: {  	_ = 	snop  }
0x32: {  	[tilespmem:s19], [sflag:$0x2] =	stream.indirect.gather [hbm4b:s4+s17], $0x28, s17, s17, $0xb8;
	[tilespmem:$0x102C0] =	vst v63  }
0x33: {  	s22 =	simm.s32 $0x100  }
0x34: {  	[tilespmem:s21], [sflag:$0x3] =	stream.indirect.gather [hbm4b:s4+s17], $0x28, s22, s17, $0xb8;
	[tilespmem:$0x102C0] =	vst v63  }
0x35: {  	s20 =	simm.s32 $0x180  }
0x36: {  	[tilespmem:s23], [sflag:$0x4] =	stream.indirect.gather [hbm4b:s4+s17], $0x28, s20, s17, $0xb8;
	[tilespmem:$0x102C0] =	vst v63  }
0x37: {  	_ =	swait.ge [sflag:s24], $0x1400  }
0x38: {  	[sflag:s24] =	ssyncset.done $0x0  }
0x39: {  	s22 =	simm.s32 $0x2800;
	[sflag:s24] =	ssyncadd.s32 $0xFFFFEC00  }
0x3a: {  	[spmem:s2] =	stream.indirect.scatter.add.s16 [tilespmem:s18], [sflag:$0x5], $0x28, s22, s17, $0xb8;
	[tilespmem:$0x102C0] =	vst v63  }
0x3b: {  	_ =	swait.ge [sflag:s25], $0x1400  }
0x3c: {  	[sflag:s25] =	ssyncset.done $0x0  }
0x3d: {  	s20 =	simm.s32 $0x2880;
	[sflag:s25] =	ssyncadd.s32 $0xFFFFEC00  }
0x3e: {  	[spmem:s2] =	stream.indirect.scatter.add.s16 [tilespmem:s19], [sflag:$0x6], $0x28, s20, s17, $0xb8;
	[tilespmem:$0x102C0] =	vst v63  }
0x3f: {  	_ =	swait.ge [sflag:s26], $0x1400  }
0x40: {  	[sflag:s26] =	ssyncset.done $0x0  }
0x41: {  	s22 =	simm.s32 $0x2900;
	[sflag:s26] =	ssyncadd.s32 $0xFFFFEC00  }
0x42: {  	[spmem:s2] =	stream.indirect.scatter.add.s16 [tilespmem:s21], [sflag:$0x7], $0x28, s22, s17, $0xb8;
	[tilespmem:$0x102C0] =	vst v63  }
0x43: {  	_ =	swait.ge [sflag:s28], $0x1400  }
0x44: {  	[sflag:s28] =	ssyncset.done $0x0  }
0x45: {  	s20 =	simm.s32 $0x2980;
	[sflag:s28] =	ssyncadd.s32 $0xFFFFEC00  }
0x46: {  	[spmem:s2] =	stream.indirect.scatter.add.s16 [tilespmem:s23], [sflag:$0x8], $0x28, s20, s17, $0xb8;
	[tilespmem:$0x102C0] =	vst v63  }
0x47: {  	_ =	swait.ge [sflag:s29], $0x1400  }
0x48: {  	[sflag:s29] =	ssyncset.done $0x0  }
0x49: {  	s22 =	simm.s32 $0x200;
	[sflag:s29] =	ssyncadd.s32 $0xFFFFEC00  }
0x4a: {  	[tilespmem:s18], [sflag:$0x1] =	stream.indirect.gather [hbm4b:s4+s17], $0x28, s22, s17, $0xb8;
	[tilespmem:$0x102C0] =	vst v63  }
0x4b: {  	_ =	swait.ge [sflag:s30], $0x1400  }
0x4c: {  	[sflag:s30] =	ssyncset.done $0x0  }
0x4d: {  	s20 =	simm.s32 $0x280;
	[sflag:s30] =	ssyncadd.s32 $0xFFFFEC00  }
0x4e: {  	[tilespmem:s19], [sflag:$0x2] =	stream.indirect.gather [hbm4b:s4+s17], $0x28, s20, s17, $0xb8;
	[tilespmem:$0x102C0] =	vst v63  }
0x4f: {  	_ =	swait.ge [sflag:s31], $0x1400  }
0x50: {  	[sflag:s31] =	ssyncset.done $0x0  }
0x51: {  	s22 =	simm.s32 $0x300;
	[sflag:s31] =	ssyncadd.s32 $0xFFFFEC00  }
0x52: {  	[tilespmem:s21], [sflag:$0x3] =	stream.indirect.gather [hbm4b:s4+s17], $0x28, s22, s17, $0xb8;
	[tilespmem:$0x102C0] =	vst v63  }
0x53: {  	_ =	swait.ge [sflag:s1], $0x1400  }
0x54: {  	[sflag:s1] =	ssyncset.done $0x0  }
0x55: {  	s3 =	simm.s32 $0x800;
	s20 =	simm.s32 $0x380;
	[sflag:s1] =	ssyncadd.s32 $0xFFFFEC00  }
.LBB2_2:
0x56: {  	[tilespmem:s23], [sflag:$0x4] =	stream.indirect.gather [hbm4b:s4+s17], $0x28, s20, s17, $0xb8;
	[tilespmem:$0x102C0] =	vst v63  }
0x57: {  	s20 =	smov.u32 s3  }
0x58: {  	p1 =	sne.s32 s3, $0x9000;
	s3 =	sadd.s32 $0x800, s3;
	_ =	swait.ge [sflag:s24], $0x1400  }
0x59: {  	s20 =	sshra.s32 s20, $0x2;
	[sflag:s24] =	ssyncset.done $0x0  }
0x5a: {  	s22 =	sadd.s32 $0x2800, s20;
	[sflag:s24] =	ssyncadd.s32 $0xFFFFEC00  }
0x5b: {  	[spmem:s2] =	stream.indirect.scatter.add.s16 [tilespmem:s18], [sflag:$0x5], $0x28, s22, s17, $0xb8;
	[tilespmem:$0x102C0] =	vst v63  }
0x5c: {  	_ =	swait.ge [sflag:s25], $0x1400  }
0x5d: {  	[sflag:s25] =	ssyncset.done $0x0  }
0x5e: {  	s22 =	sadd.s32 $0x2880, s20;
	[sflag:s25] =	ssyncadd.s32 $0xFFFFEC00  }
0x5f: {  	[spmem:s2] =	stream.indirect.scatter.add.s16 [tilespmem:s19], [sflag:$0x6], $0x28, s22, s17, $0xb8;
	[tilespmem:$0x102C0] =	vst v63  }
0x60: {  	_ =	swait.ge [sflag:s26], $0x1400  }
0x61: {  	[sflag:s26] =	ssyncset.done $0x0  }
0x62: {  	s22 =	sadd.s32 $0x2900, s20;
	[sflag:s26] =	ssyncadd.s32 $0xFFFFEC00  }
0x63: {  	[spmem:s2] =	stream.indirect.scatter.add.s16 [tilespmem:s21], [sflag:$0x7], $0x28, s22, s17, $0xb8;
	[tilespmem:$0x102C0] =	vst v63  }
0x64: {  	_ =	swait.ge [sflag:s28], $0x1400  }
0x65: {  	[sflag:s28] =	ssyncset.done $0x0  }
0x66: {  	s22 =	sadd.s32 $0x2980, s20;
	[sflag:s28] =	ssyncadd.s32 $0xFFFFEC00  }
0x67: {  	[spmem:s2] =	stream.indirect.scatter.add.s16 [tilespmem:s23], [sflag:$0x8], $0x28, s22, s17, $0xb8;
	[tilespmem:$0x102C0] =	vst v63  }
0x68: {  	_ =	swait.ge [sflag:s29], $0x1400  }
0x69: {  	[sflag:s29] =	ssyncset.done $0x0  }
0x6a: {  	s22 =	sadd.s32 $0x200, s20;
	[sflag:s29] =	ssyncadd.s32 $0xFFFFEC00  }
0x6b: {  	[tilespmem:s18], [sflag:$0x1] =	stream.indirect.gather [hbm4b:s4+s17], $0x28, s22, s17, $0xb8;
	[tilespmem:$0x102C0] =	vst v63  }
0x6c: {  	_ =	swait.ge [sflag:s30], $0x1400  }
0x6d: {  	[sflag:s30] =	ssyncset.done $0x0  }
0x6e: {  	s22 =	sadd.s32 $0x280, s20;
	[sflag:s30] =	ssyncadd.s32 $0xFFFFEC00  }
0x6f: {  	[tilespmem:s19], [sflag:$0x2] =	stream.indirect.gather [hbm4b:s4+s17], $0x28, s22, s17, $0xb8;
	[tilespmem:$0x102C0] =	vst v63  }
0x70: {  	_ =	swait.ge [sflag:s31], $0x1400  }
0x71: {  	[sflag:s31] =	ssyncset.done $0x0  }
.Ltmp0:
0x72: {  	s22 =	sadd.s32 $0x300, s20;
	[sflag:s31] =	ssyncadd.s32 $0xFFFFEC00;
	(pc) =	sbr.rel @p1 .LBB2_2-.Ltmp0, $4  }
0x73: {  	[tilespmem:s21], [sflag:$0x3] =	stream.indirect.gather [hbm4b:s4+s17], $0x28, s22, s17, $0xb8;
	[tilespmem:$0x102C0] =	vst v63  }
0x74: {  	_ =	swait.ge [sflag:s1], $0x1400  }
0x75: {  	[sflag:s1] =	ssyncset.done $0x0  }
0x76: {  	s20 =	sadd.s32 $0x380, s20;
	[sflag:s1] =	ssyncadd.s32 $0xFFFFEC00  }
0x77: {  	[tilespmem:s23], [sflag:$0x4] =	stream.indirect.gather [hbm4b:s4+s17], $0x28, s20, s17, $0xb8;
	[tilespmem:$0x102C0] =	vst v63  }
0x78: {  	_ =	swait.ge [sflag:s24], $0x1400  }
0x79: {  	[sflag:s24] =	ssyncset.done $0x0  }
0x7a: {  	s3 =	simm.s32 $0x4E00;
	[sflag:s24] =	ssyncadd.s32 $0xFFFFEC00  }
0x7b: {  	[spmem:s2] =	stream.indirect.scatter.add.s16 [tilespmem:s18], [sflag:$0x5], $0x28, s3, s17, $0xb8;
	[tilespmem:$0x102C0] =	vst v63  }
0x7c: {  	_ =	swait.ge [sflag:s25], $0x1400  }
0x7d: {  	[sflag:s25] =	ssyncset.done $0x0  }
0x7e: {  	s22 =	simm.s32 $0x4E80;
	[sflag:s25] =	ssyncadd.s32 $0xFFFFEC00  }
0x7f: {  	[spmem:s2] =	stream.indirect.scatter.add.s16 [tilespmem:s19], [sflag:$0x6], $0x28, s22, s17, $0xb8;
	[tilespmem:$0x102C0] =	vst v63  }
0x80: {  	_ =	swait.ge [sflag:s26], $0x1400  }
0x81: {  	[sflag:s26] =	ssyncset.done $0x0  }
0x82: {  	s20 =	simm.s32 $0x4F00;
	[sflag:s26] =	ssyncadd.s32 $0xFFFFEC00  }
0x83: {  	[spmem:s2] =	stream.indirect.scatter.add.s16 [tilespmem:s21], [sflag:$0x7], $0x28, s20, s17, $0xb8;
	[tilespmem:$0x102C0] =	vst v63  }
0x84: {  	_ =	swait.ge [sflag:s28], $0x1400  }
0x85: {  	[sflag:s28] =	ssyncset.done $0x0  }
0x86: {  	s22 =	simm.s32 $0x4F80;
	[sflag:s28] =	ssyncadd.s32 $0xFFFFEC00  }
0x87: {  	[spmem:s2] =	stream.indirect.scatter.add.s16 [tilespmem:s23], [sflag:$0x8], $0x28, s22, s17, $0xb8;
	[tilespmem:$0x102C0] =	vst v63  }
0x88: {  	_ =	swait.ge [sflag:s29], $0x1400  }
0x89: {  	[sflag:s29] =	ssyncset.done $0x0  }
0x8a: {  	[sflag:s29] =	ssyncadd.s32 $0xFFFFEC00  }
0x8b: {  	_ =	swait.ge [sflag:s30], $0x1400  }
0x8c: {  	[sflag:s30] =	ssyncset.done $0x0  }
0x8d: {  	[sflag:s30] =	ssyncadd.s32 $0xFFFFEC00  }
0x8e: {  	_ =	swait.ge [sflag:s31], $0x1400  }
0x8f: {  	[sflag:s31] =	ssyncset.done $0x0  }
0x90: {  	[sflag:s31] =	ssyncadd.s32 $0xFFFFEC00  }
0x91: {  	_ =	swait.ge [sflag:s1], $0x1400  }
0x92: {  	s0 =	sadd.s32 $0x1, s0;
	[sflag:s1] =	ssyncset.done $0x0  }
0x93: {  	p1 =	sne.s32 s0, s14;
	[sflag:s1] =	ssyncadd.s32 $0xFFFFEC00  }
.Ltmp1:
0x94: {  	[bflag:$0x0] =	sbarrier.arrive $0xFFFF;
	(pc) =	sbr.rel @p1 .LBB2_1-.Ltmp1, $4  }
0x95: {  	[hbm:s13], [sflag:s7] =	dma.local [spmem:s15], $0xC58  }
0x96: {  	_ =	swait.ge [sflag:s16], $0xC58  }
0x97: {  	[sflag:s16] =	ssyncset.done $0x0  }
0x98: {  	[sflag:s16] =	ssyncadd.s32 $0xFFFFF3A8  }
0x99: {  	_ =	sfence.sel $0x180000  }
0x9a: {  	[bflag:$0x0] =	sbarrier.arrive $0xFFFF  }
0x9b: {  	_ =	strace $0x90000047  }
0x9c: {  	s0 =	stileid.u32;
	[bflag:$0x2] =	sbarrier.arrive $0xFFFF  }
0x9d: {  	p0 =	sne.s32 s0, $0x0;
	s0 =	rddreg [dreg:$0x2]  }
0x9e: {  	s0 =	sadd.s32 @!p0 $0x100000, s0  }
0x9f: {  	[sflag:s0] =	ssyncadd.tile.s32 @!p0 $0x1;
	_ =	shalt  }
.Lfunc_end2:
_tile_overlayer_lowered:
.L_overlay_start_2:
0xa0: {  	(tag) =	ssettag $0x2  }
0xa1: {  	s0 =	rddreg [dreg:$0x0];
	s2 =	stileid.u32  }
0xa2: {  	s1 =	rddreg [dreg:$0x1];
	p0 =	sne.s32 s2, $0x0  }
0xa3: {  	s3 =	rddreg [dreg:$0x2];
	[bflag:$0x3] =	sbarrier.arrive $0xFFFF;
	s2 =	simm.s32 @!p0 $0x1C09  }
0xa4: {  	[timem:s3], [sflag:s2] =	dma.local @!p0 [hbm:s0], s1  }
0xa5: {  	s0 =	simm.s32 @!p0 $0x9  }
0xa6: {  	_ =	swait.ge @!p0 [sflag:s0], s1  }
0xa7: {  	s1 =	ssub.s32 @!p0 $0x0, s1;
	[sflag:s0] =	ssyncset.done @!p0 $0x0  }
0xa8: {  	[sflag:s0] =	ssyncadd.s32 @!p0 s1  }
0xa9: {  	[bflag:$0x3] =	sbarrier.arrive $0xFFFF  }
0xaa: {  	_ =	shalt  }

</sc_bundles>
